<compile_context>
chip_gen: v7x
topology: tpu7x:2x2x1
jax: 0.10.2.dev20260603
libtpu: 0.0.44.dev20260713+nightly
codegen_flags: <defaults>
</compile_context>

<pallas_src>
import functools

import jax
import jax.numpy as jnp
from jax import lax
from jax.experimental import pallas as pl
from jax.experimental.pallas import tpu as pltpu
from jax.experimental.pallas import tpu_sc as plsc

N = 10000
E = 320000
D = 128

NC = 2
NS = 16
NW = NC * NS
CH = 128
E_PAD = ((E + NW * CH * 2 - 1) // (NW * CH * 2)) * (NW * CH * 2)
NCH = E_PAD // (NW * CH)
G = 40
NG = NCH // G
N_ACC = 10240
ROWS_PER_TILE = N_ACC // NS

B = 2048
NB = N_ACC // B

_mesh = plsc.VectorSubcoreMesh(core_axis_name="c", subcore_axis_name="s",
                               num_cores=NC, num_subcores=NS)



def _deg_body(dst_hbm, zn_hbm, out_hbm, idx_v, ones_v, dacc):
    cid = lax.axis_index("c")
    sid = lax.axis_index("s")
    wid = sid * NC + cid
    pltpu.sync_copy(zn_hbm.at[pl.ds(sid * ROWS_PER_TILE, ROWS_PER_TILE)],
                    dacc.at[pl.ds(sid * ROWS_PER_TILE, ROWS_PER_TILE)])
    for k in range(CH // 16):
        ones_v[pl.ds(k * 16, 16)] = jnp.ones((16,), jnp.float32)
    pltpu.sync_copy(dst_hbm.at[pl.ds(wid * NCH, NCH)], idx_v)
    plsc.subcore_barrier()

    @pl.loop(0, NCH)
    def _(j):
        pltpu.sync_copy(ones_v, dacc.at[idx_v.at[j]], add=True)

    plsc.subcore_barrier()
    base = cid * N_ACC + sid * ROWS_PER_TILE
    pltpu.sync_copy(dacc.at[pl.ds(sid * ROWS_PER_TILE, ROWS_PER_TILE)],
                    out_hbm.at[pl.ds(base, ROWS_PER_TILE)])


def _agg_body(g_hbm, src_hbm, dst_hbm, out_hbm,
              src_v, dst_v, buf_a, buf_b, acc, sem_ga, sem_gb):
    cid = lax.axis_index("c")
    sid = lax.axis_index("s")
    wid = sid * NC + cid
    r0 = sid * ROWS_PER_TILE
    row0 = wid * NCH
    pltpu.sync_copy(g_hbm.at[pl.ds(r0, ROWS_PER_TILE)],
                    acc.at[pl.ds(r0, ROWS_PER_TILE)])
    plsc.subcore_barrier()

    @pl.loop(0, NG)
    def _(g):
        pltpu.sync_copy(src_hbm.at[pl.ds(row0 + g * G, G)], src_v)
        pltpu.sync_copy(dst_hbm.at[pl.ds(row0 + g * G, G)], dst_v)
        pltpu.async_copy(g_hbm.at[src_v.at[0]], buf_a, sem_ga)

        @pl.loop(0, G, step=2)
        def _(k):
            pltpu.async_copy(g_hbm.at[src_v.at[k + 1]], buf_b, sem_gb)
            pltpu.make_async_copy(g_hbm.at[src_v.at[k]], buf_a, sem_ga).wait()
            pltpu.sync_copy(buf_a, acc.at[dst_v.at[k]], add=True)

            @pl.when(k + 2 < G)
            def _():
                pltpu.async_copy(g_hbm.at[src_v.at[k + 2]], buf_a, sem_ga)

            pltpu.make_async_copy(g_hbm.at[src_v.at[k + 1]], buf_b,
                                  sem_gb).wait()
            pltpu.sync_copy(buf_b, acc.at[dst_v.at[k + 1]], add=True)

    plsc.subcore_barrier()
    base = cid * N_ACC + r0
    pltpu.sync_copy(acc.at[pl.ds(r0, ROWS_PER_TILE)],
                    out_hbm.at[pl.ds(base, ROWS_PER_TILE)])


_DEG_SCRATCH = [
    pltpu.VMEM((NCH, CH), jnp.int32),
    pltpu.VMEM((CH,), jnp.float32),
    pltpu.VMEM_SHARED((N_ACC,), jnp.float32),
]
_AGG_SCRATCH = [
    pltpu.VMEM((G, CH), jnp.int32),
    pltpu.VMEM((G, CH), jnp.int32),
    pltpu.VMEM((CH, D), jnp.float32),
    pltpu.VMEM((CH, D), jnp.float32),
    pltpu.VMEM_SHARED((N_ACC, D), jnp.float32),
    pltpu.SemaphoreType.DMA,
    pltpu.SemaphoreType.DMA,
]

_deg = pl.kernel(
    _deg_body,
    out_type=jax.ShapeDtypeStruct((2 * N_ACC,), jnp.float32),
    mesh=_mesh,
    scratch_types=_DEG_SCRATCH,
)

_agg = pl.kernel(
    _agg_body,
    out_type=jax.ShapeDtypeStruct((2 * N_ACC, D), jnp.float32),
    mesh=_mesh,
    scratch_types=_AGG_SCRATCH,
)



def _mm_scale_body(x_ref, w_ref, dinv_ref, o_ref):
    i = pl.program_id(0)
    h = lax.dot_general(x_ref[...].astype(jnp.bfloat16),
                        w_ref[...].astype(jnp.bfloat16),
                        (((1,), (1,)), ((), ())),
                        preferred_element_type=jnp.float32)
    h = h * dinv_ref[...]
    rows = i * B + lax.broadcasted_iota(jnp.int32, (B, 1), 0)
    o_ref[...] = jnp.where(rows < N, h, 0.0)


def _mm_scale(x, w, dinv):
    return pl.pallas_call(
        _mm_scale_body,
        grid=(NB,),
        in_specs=[
            pl.BlockSpec((B, D), lambda i: (i, 0)),
            pl.BlockSpec((D, D), lambda i: (0, 0)),
            pl.BlockSpec((B, 1), lambda i: (i, 0)),
        ],
        out_specs=pl.BlockSpec((B, D), lambda i: (i, 0)),
        out_shape=jax.ShapeDtypeStruct((N_ACC, D), jnp.float32),
    )(x, w, dinv)


def _fused_body(agg_a_ref, agg_b_ref, g_ref, dinv_ref, b_ref,
                gam_ref, bet_ref, w_ref, ex_ref, o_ref, stats_ref, h_ref,
                *, scale_out, bb, mask):
    p = pl.program_id(0)
    i = pl.program_id(1)

    @pl.when(p == 0)
    def _():
        h = (agg_a_ref[0] + agg_b_ref[0] - g_ref[...]) * dinv_ref[...] \
            + b_ref[...]
        if mask:
            rows = i * bb + lax.broadcasted_iota(jnp.int32, (bb, 1), 0)
            h = jnp.where(rows < N, h, 0.0)
        h_ref[pl.ds(i * bb, bb), :] = h

        @pl.when(i == 0)
        def _():
            stats_ref[...] = jnp.zeros_like(stats_ref)

        stats_ref[...] += jnp.concatenate(
            [jnp.sum(h, axis=0, keepdims=True),
             jnp.sum(h * h, axis=0, keepdims=True)], axis=0)

    @pl.when(p == 1)
    def _():
        h = h_ref[pl.ds(i * bb, bb), :]
        mean = stats_ref[0:1, :] / N
        var = stats_ref[1:2, :] / N - mean * mean
        scale = gam_ref[...] * lax.rsqrt(var + 1e-5)
        shift = bet_ref[...] - mean * scale
        a = h * scale + shift
        a = jnp.where(a >= 0, a, 0.2 * a)
        out = lax.dot_general(a.astype(jnp.bfloat16),
                              w_ref[...].astype(jnp.bfloat16),
                              (((1,), (1,)), ((), ())),
                              preferred_element_type=jnp.float32)
        if scale_out:
            out = out * ex_ref[...]
        else:
            out = out + ex_ref[...]
        o_ref[...] = out


def _fused(agg, g, dinv, b, gamma, beta, w, extra, *, scale_out):
    agg3 = agg.reshape(2, N_ACC, D)
    bb = B if scale_out else N // NB
    n_out = N_ACC if scale_out else N
    extra_spec = (pl.BlockSpec((bb, 1), lambda p, i: (i, 0)) if scale_out
                  else pl.BlockSpec((1, D), lambda p, i: (0, 0)))
    return pl.pallas_call(
        functools.partial(_fused_body, scale_out=scale_out, bb=bb,
                          mask=scale_out),
        grid=(2, NB),
        in_specs=[
            pl.BlockSpec((1, bb, D), lambda p, i: (0, (1 - p) * i, 0)),
            pl.BlockSpec((1, bb, D), lambda p, i: (1, (1 - p) * i, 0)),
            pl.BlockSpec((bb, D), lambda p, i: ((1 - p) * i, 0)),
            pl.BlockSpec((bb, 1), lambda p, i: ((1 - p) * i, 0)),
            pl.BlockSpec((1, D), lambda p, i: (0, 0)),
            pl.BlockSpec((1, D), lambda p, i: (0, 0)),
            pl.BlockSpec((1, D), lambda p, i: (0, 0)),
            pl.BlockSpec((D, D), lambda p, i: (0, 0)),
            extra_spec,
        ],
        out_specs=pl.BlockSpec((bb, D), lambda p, i: (p * i, 0)),
        out_shape=jax.ShapeDtypeStruct((n_out, D), jnp.float32),
        scratch_shapes=[pltpu.VMEM((2, D), jnp.float32),
                        pltpu.VMEM((NB * bb, D), jnp.float32)],
    )(agg3, agg3, g, dinv, b, gamma, beta, w, extra)


def kernel(x, edge_index, W1, b1, gamma, beta, W2, b2, Wl, bl):
    src = edge_index[0]
    dst = edge_index[1]
    npad = E_PAD - E
    sink = N + (jnp.arange(npad, dtype=jnp.int32) % 128)
    src2d = jnp.concatenate([src, sink]).reshape(E_PAD // CH, CH)
    dst2d = jnp.concatenate([dst, sink]).reshape(E_PAD // CH, CH)
    zerosn = jnp.zeros((N_ACC,), jnp.float32)

    degp = _deg(dst2d, zerosn)
    deg = degp[:N_ACC] + degp[N_ACC:] + 1.0
    dinv = lax.rsqrt(deg).reshape(N_ACC, 1)

    gam = gamma.reshape(1, D)
    bet = beta.reshape(1, D)
    g1 = _mm_scale(x, W1, dinv)
    agg1 = _agg(g1, src2d, dst2d)
    g2 = _fused(agg1, g1, dinv, b1.reshape(1, D), gam, bet, W2, dinv,
                scale_out=True)
    agg2 = _agg(g2, src2d, dst2d)
    return _fused(agg2, g2, dinv, b2.reshape(1, D), gam, bet, Wl,
                  bl.reshape(1, D), scale_out=False)

# --- scband reference (transcript-rebuilt; emitter-appended) ---
"""Pipeline reference for scband-gcn-59914793779358 (READ-ONLY COPY).

The authoritative reference and input builder live on the scoring server;
editing this copy changes nothing except your own understanding.
"""

import jax, jax.numpy as jnp
import numpy as np

N = 10000
E = 320000
D = 128


def _gcn_conv(x, edge_index, W, b):
    n = x.shape[0]
    loops = jnp.arange(n, dtype=edge_index.dtype)
    src = jnp.concatenate([edge_index[0], loops])
    dst = jnp.concatenate([edge_index[1], loops])
    deg = jnp.zeros((n,), dtype=x.dtype).at[dst].add(1.0)
    dinv = jnp.where(deg > 0, deg ** -0.5, 0.0)
    norm = dinv[src] * dinv[dst]
    h = x @ W.T
    msg = h[src] * norm[:, None]
    out = jnp.zeros((n, h.shape[1]), dtype=x.dtype).at[dst].add(msg)
    return out + b


def _batchnorm(x, gamma, beta, eps=1e-5):
    mean = jnp.mean(x, axis=0)
    var = jnp.var(x, axis=0)
    return (x - mean) / jnp.sqrt(var + eps) * gamma + beta


def _leaky_relu(x):
    return jnp.where(x >= 0, x, 0.2 * x)


def setup_inputs(seed: int = 0):
    key = jax.random.key(seed)
    ks = jax.random.split(key, 12)
    x = jax.random.normal(ks[0], (N, D), dtype=jnp.float32)
    edge_index = jax.random.randint(ks[1], (2, E), 0, N, dtype=jnp.int32)
    s = 0.1
    W1 = jax.random.normal(ks[2], (D, D), dtype=jnp.float32) * s
    b1 = jnp.zeros((D,), dtype=jnp.float32)
    gamma = jnp.ones((D,), dtype=jnp.float32)
    beta = jnp.zeros((D,), dtype=jnp.float32)
    W2 = jax.random.normal(ks[3], (D, D), dtype=jnp.float32) * s
    b2 = jnp.zeros((D,), dtype=jnp.float32)
    Wl = jax.random.normal(ks[4], (D, D), dtype=jnp.float32) * s
    bl = jnp.zeros((D,), dtype=jnp.float32)
    return {"x": x, "edge_index": edge_index, "W1": W1, "b1": b1, "gamma": gamma, "beta": beta, "W2": W2, "b2": b2, "Wl": Wl, "bl": bl}


def reference(x, edge_index, W1, b1, gamma, beta, W2, b2, Wl, bl):
    h = _gcn_conv(x, edge_index, W1, b1)
    h = _leaky_relu(_batchnorm(h, gamma, beta))
    h = _gcn_conv(h, edge_index, W2, b2)
    h = _leaky_relu(_batchnorm(h, gamma, beta))
    out = h @ Wl.T + bl
    return out

if __name__ == "__main__":
    import jax
    _d = setup_inputs()
    print(jax.jit(kernel)(*tuple(_d.values())))

</pallas_src>

<mosaic_0001>
#map = affine_map<(d0, d1) -> (0, 0)>
module attributes {stable_mosaic.version = 14 : i64} {
  func.func @_agg_body(%arg0: i32, %arg1: i32, %arg2: memref<10240x128xf32, #tpu.memory_space<hbm>>, %arg3: memref<2560x128xi32, #tpu.memory_space<hbm>>, %arg4: memref<2560x128xi32, #tpu.memory_space<hbm>>, %arg5: memref<20480x128xf32, #tpu.memory_space<hbm>>, %arg6: memref<40x128xi32, #tpu.memory_space<vmem>>, %arg7: memref<40x128xi32, #tpu.memory_space<vmem>>, %arg8: memref<128x128xf32, #tpu.memory_space<vmem>>, %arg9: memref<128x128xf32, #tpu.memory_space<vmem>>, %arg10: memref<10240x128xf32, #tpu.memory_space<vmem_shared>>, %arg11: memref<!tpu.dma_semaphore, #tpu.memory_space<semaphore_mem>>, %arg12: memref<!tpu.dma_semaphore, #tpu.memory_space<semaphore_mem>>) attributes {dimension_semantics = [#tpu.dimension_semantics<core_parallel>, #tpu.dimension_semantics<subcore_parallel>], iteration_bounds = array<i64: 2, 16>, scalar_prefetch = 0 : i64, scratch_operands = 7 : i64, tpu.core_type = #tpu.core_type<sc_vector_subcore>, window_params = [{transform_indices = #map}, {transform_indices = #map}, {transform_indices = #map}, {transform_indices = #map}]} {
    %mul3A = arith.constant 2 : i32
    %mul3A_0 = arith.muli %arg1, %mul3A : i32
    %add3A = arith.addi %mul3A_0, %arg0 : i32
    %mul3A_1 = arith.constant 640 : i32
    %mul3A_2 = arith.muli %arg1, %mul3A_1 : i32
    %mul3A_3 = arith.constant 80 : i32
    %mul3A_4 = arith.muli %add3A, %mul3A_3 : i32
    "tpu.region"() ({
      %run_scoped3A = tpu.sem_alloc : memref<!tpu.dma_semaphore, #tpu.memory_space<semaphore_mem>>
      %dma_start3A = arith.constant 0 : i32
      %dma_start3A_13 = tpu.memref_slice %arg10[%mul3A_2, %dma_start3A] : memref<10240x128xf32, #tpu.memory_space<vmem_shared>> -> memref<640x128xf32, #tpu.memory_space<vmem_shared>>
      %dma_start3A_14 = arith.constant 0 : i32
      %dma_start3A_15 = tpu.memref_slice %arg2[%mul3A_2, %dma_start3A_14] : memref<10240x128xf32, #tpu.memory_space<hbm>> -> memref<640x128xf32, #tpu.memory_space<hbm>>
      tpu.enqueue_dma source(%dma_start3A_15 : memref<640x128xf32, #tpu.memory_space<hbm>>) target(%dma_start3A_13 : memref<640x128xf32, #tpu.memory_space<vmem_shared>>) target_semaphore(%run_scoped3A : memref<!tpu.dma_semaphore, #tpu.memory_space<semaphore_mem>>)
      %dma_wait3A = arith.constant 0 : i32
      %dma_wait3A_16 = tpu.memref_slice %arg10[%mul3A_2, %dma_wait3A] : memref<10240x128xf32, #tpu.memory_space<vmem_shared>> -> memref<640x128xf32, #tpu.memory_space<vmem_shared>>
      %dma_wait3A_17 = arith.constant 0 : i32
      %dma_wait3A_18 = tpu.memref_slice %arg2[%mul3A_2, %dma_wait3A_17] : memref<10240x128xf32, #tpu.memory_space<hbm>> -> memref<640x128xf32, #tpu.memory_space<hbm>>
      tpu.wait_dma2 semaphore(%run_scoped3A : memref<!tpu.dma_semaphore, #tpu.memory_space<semaphore_mem>>) src(%dma_wait3A_18 : memref<640x128xf32, #tpu.memory_space<hbm>>) dst(%dma_wait3A_16 : memref<640x128xf32, #tpu.memory_space<vmem_shared>>)
      tpu.yield
    }) : () -> ()
    %barrier3A = arith.constant 0 : index
    tpu.barrier barrier_id(%barrier3A)
    %scan3A = arith.constant 0 : i32
    %scan3A_5 = arith.constant 2 : i32
    %scan3A_6 = arith.addi %scan3A, %scan3A_5 : i32
    %scan3A_7 = arith.constant 1 : i32
    scf.for %scan3A_13 = %scan3A to %scan3A_6 step %scan3A_7  : i32 {
      %mul3A_14 = arith.constant 1 : i32
      %mul3A_15 = arith.muli %scan3A_13, %mul3A_14 : i32
      %add3A_16 = arith.constant 0 : i32
      %add3A_17 = arith.addi %add3A_16, %mul3A_15 : i32
      %mul3A_18 = arith.constant 40 : i32
      %mul3A_19 = arith.muli %add3A_17, %mul3A_18 : i32
      %add3A_20 = arith.addi %mul3A_4, %mul3A_19 : i32
      "tpu.region"() ({
        %run_scoped3A = tpu.sem_alloc : memref<!tpu.dma_semaphore, #tpu.memory_space<semaphore_mem>>
        %dma_start3A_35 = arith.constant 0 : i32
        %dma_start3A_36 = tpu.memref_slice %arg3[%add3A_20, %dma_start3A_35] : memref<2560x128xi32, #tpu.memory_space<hbm>> -> memref<40x128xi32, #tpu.memory_space<hbm>>
        %dma_start3A_37 = arith.constant 0 : i32
        %dma_start3A_38 = tpu.memref_slice %arg3[%add3A_20, %dma_start3A_37] : memref<2560x128xi32, #tpu.memory_space<hbm>> -> memref<40x128xi32, #tpu.memory_space<hbm>>
        tpu.enqueue_dma source(%dma_start3A_38 : memref<40x128xi32, #tpu.memory_space<hbm>>) target(%arg6 : memref<40x128xi32, #tpu.memory_space<vmem>>) target_semaphore(%run_scoped3A : memref<!tpu.dma_semaphore, #tpu.memory_space<semaphore_mem>>)
        %dma_wait3A = arith.constant 0 : i32
        %dma_wait3A_39 = tpu.memref_slice %arg3[%add3A_20, %dma_wait3A] : memref<2560x128xi32, #tpu.memory_space<hbm>> -> memref<40x128xi32, #tpu.memory_space<hbm>>
        %dma_wait3A_40 = arith.constant 0 : i32
        %dma_wait3A_41 = tpu.memref_slice %arg3[%add3A_20, %dma_wait3A_40] : memref<2560x128xi32, #tpu.memory_space<hbm>> -> memref<40x128xi32, #tpu.memory_space<hbm>>
        tpu.wait_dma2 semaphore(%run_scoped3A : memref<!tpu.dma_semaphore, #tpu.memory_space<semaphore_mem>>) src(%dma_wait3A_41 : memref<40x128xi32, #tpu.memory_space<hbm>>) dst(%arg6 : memref<40x128xi32, #tpu.memory_space<vmem>>)
        tpu.yield
      }) : () -> ()
      %mul3A_21 = arith.constant 40 : i32
      %mul3A_22 = arith.muli %add3A_17, %mul3A_21 : i32
      %add3A_23 = arith.addi %mul3A_4, %mul3A_22 : i32
      "tpu.region"() ({
        %run_scoped3A = tpu.sem_alloc : memref<!tpu.dma_semaphore, #tpu.memory_space<semaphore_mem>>
        %dma_start3A_35 = arith.constant 0 : i32
        %dma_start3A_36 = tpu.memref_slice %arg4[%add3A_23, %dma_start3A_35] : memref<2560x128xi32, #tpu.memory_space<hbm>> -> memref<40x128xi32, #tpu.memory_space<hbm>>
        %dma_start3A_37 = arith.constant 0 : i32
        %dma_start3A_38 = tpu.memref_slice %arg4[%add3A_23, %dma_start3A_37] : memref<2560x128xi32, #tpu.memory_space<hbm>> -> memref<40x128xi32, #tpu.memory_space<hbm>>
        tpu.enqueue_dma source(%dma_start3A_38 : memref<40x128xi32, #tpu.memory_space<hbm>>) target(%arg7 : memref<40x128xi32, #tpu.memory_space<vmem>>) target_semaphore(%run_scoped3A : memref<!tpu.dma_semaphore, #tpu.memory_space<semaphore_mem>>)
        %dma_wait3A = arith.constant 0 : i32
        %dma_wait3A_39 = tpu.memref_slice %arg4[%add3A_23, %dma_wait3A] : memref<2560x128xi32, #tpu.memory_space<hbm>> -> memref<40x128xi32, #tpu.memory_space<hbm>>
        %dma_wait3A_40 = arith.constant 0 : i32
        %dma_wait3A_41 = tpu.memref_slice %arg4[%add3A_23, %dma_wait3A_40] : memref<2560x128xi32, #tpu.memory_space<hbm>> -> memref<40x128xi32, #tpu.memory_space<hbm>>
        tpu.wait_dma2 semaphore(%run_scoped3A : memref<!tpu.dma_semaphore, #tpu.memory_space<semaphore_mem>>) src(%dma_wait3A_41 : memref<40x128xi32, #tpu.memory_space<hbm>>) dst(%arg7 : memref<40x128xi32, #tpu.memory_space<vmem>>)
        tpu.yield
      }) : () -> ()
      %dma_start3A = arith.constant 0 : i32
      %dma_start3A_24 = arith.constant 0 : i32
      %dma_start3A_25 = tpu.memref_slice %arg6[%dma_start3A, %dma_start3A_24] : memref<40x128xi32, #tpu.memory_space<vmem>> -> memref<1x128xi32, #tpu.memory_space<vmem>>
      %dma_start3A_26 = tpu.memref_squeeze %dma_start3A_25 : memref<1x128xi32, #tpu.memory_space<vmem>> -> memref<128xi32, #tpu.memory_space<vmem>>
      %dma_start3A_27 = arith.constant 0 : i32
      %dma_start3A_28 = arith.constant 0 : i32
      %dma_start3A_29 = tpu.memref_slice %arg2[%dma_start3A_27, %dma_start3A_28] : memref<10240x128xf32, #tpu.memory_space<hbm>> -> memref<10240x128xf32, #tpu.memory_space<hbm>>
      tpu.enqueue_indirect_dma source(%dma_start3A_29 : memref<10240x128xf32, #tpu.memory_space<hbm>>) target(%arg8 : memref<128x128xf32, #tpu.memory_space<vmem>>) offsets(%dma_start3A_26 : memref<128xi32, #tpu.memory_space<vmem>>) semaphore(%arg11 : memref<!tpu.dma_semaphore, #tpu.memory_space<semaphore_mem>>)
      %scan3A_30 = arith.constant 0 : i32
      %scan3A_31 = arith.constant 20 : i32
      %scan3A_32 = arith.addi %scan3A_30, %scan3A_31 : i32
      %scan3A_33 = arith.constant 1 : i32
      scf.for %scan3A_35 = %scan3A_30 to %scan3A_32 step %scan3A_33  : i32 {
        %mul3A_36 = arith.constant 2 : i32
        %mul3A_37 = arith.muli %scan3A_35, %mul3A_36 : i32
        %add3A_38 = arith.constant 0 : i32
        %add3A_39 = arith.addi %add3A_38, %mul3A_37 : i32
        %add3A_40 = arith.constant 1 : i32
        %add3A_41 = arith.addi %add3A_39, %add3A_40 : i32
        %dma_start3A_42 = arith.constant 0 : i32
        %dma_start3A_43 = tpu.memref_slice %arg6[%add3A_41, %dma_start3A_42] : memref<40x128xi32, #tpu.memory_space<vmem>> -> memref<1x128xi32, #tpu.memory_space<vmem>>
        %dma_start3A_44 = tpu.memref_squeeze %dma_start3A_43 : memref<1x128xi32, #tpu.memory_space<vmem>> -> memref<128xi32, #tpu.memory_space<vmem>>
        %dma_start3A_45 = arith.constant 0 : i32
        %dma_start3A_46 = arith.constant 0 : i32
        %dma_start3A_47 = tpu.memref_slice %arg2[%dma_start3A_45, %dma_start3A_46] : memref<10240x128xf32, #tpu.memory_space<hbm>> -> memref<10240x128xf32, #tpu.memory_space<hbm>>
        tpu.enqueue_indirect_dma source(%dma_start3A_47 : memref<10240x128xf32, #tpu.memory_space<hbm>>) target(%arg9 : memref<128x128xf32, #tpu.memory_space<vmem>>) offsets(%dma_start3A_44 : memref<128xi32, #tpu.memory_space<vmem>>) semaphore(%arg12 : memref<!tpu.dma_semaphore, #tpu.memory_space<semaphore_mem>>)
        %dma_wait3A = arith.constant 0 : i32
        %dma_wait3A_48 = tpu.memref_slice %arg6[%add3A_39, %dma_wait3A] : memref<40x128xi32, #tpu.memory_space<vmem>> -> memref<1x128xi32, #tpu.memory_space<vmem>>
        %dma_wait3A_49 = tpu.memref_squeeze %dma_wait3A_48 : memref<1x128xi32, #tpu.memory_space<vmem>> -> memref<128xi32, #tpu.memory_space<vmem>>
        %dma_wait3A_50 = arith.constant 0 : i32
        %dma_wait3A_51 = arith.constant 0 : i32
        %dma_wait3A_52 = tpu.memref_slice %arg2[%dma_wait3A_50, %dma_wait3A_51] : memref<10240x128xf32, #tpu.memory_space<hbm>> -> memref<10240x128xf32, #tpu.memory_space<hbm>>
        tpu.wait_indirect_dma semaphore(%arg11 : memref<!tpu.dma_semaphore, #tpu.memory_space<semaphore_mem>>) src(%dma_wait3A_52 : memref<10240x128xf32, #tpu.memory_space<hbm>>) dst(%arg8 : memref<128x128xf32, #tpu.memory_space<vmem>>)
        "tpu.region"() ({
          %run_scoped3A = tpu.sem_alloc : memref<!tpu.dma_semaphore, #tpu.memory_space<semaphore_mem>>
          %dma_start3A_67 = arith.constant 0 : i32
          %dma_start3A_68 = tpu.memref_slice %arg7[%add3A_39, %dma_start3A_67] : memref<40x128xi32, #tpu.memory_space<vmem>> -> memref<1x128xi32, #tpu.memory_space<vmem>>
          %dma_start3A_69 = tpu.memref_squeeze %dma_start3A_68 : memref<1x128xi32, #tpu.memory_space<vmem>> -> memref<128xi32, #tpu.memory_space<vmem>>
          %dma_start3A_70 = arith.constant 0 : i32
          %dma_start3A_71 = arith.constant 0 : i32
          %dma_start3A_72 = tpu.memref_slice %arg10[%dma_start3A_70, %dma_start3A_71] : memref<10240x128xf32, #tpu.memory_space<vmem_shared>> -> memref<10240x128xf32, #tpu.memory_space<vmem_shared>>
          tpu.enqueue_indirect_dma source(%arg8 : memref<128x128xf32, #tpu.memory_space<vmem>>) target(%dma_start3A_72 : memref<10240x128xf32, #tpu.memory_space<vmem_shared>>) offsets(%dma_start3A_69 : memref<128xi32, #tpu.memory_space<vmem>>) semaphore(%run_scoped3A : memref<!tpu.dma_semaphore, #tpu.memory_space<semaphore_mem>>) {add = true}
          %dma_wait3A_73 = arith.constant 0 : i32
          %dma_wait3A_74 = tpu.memref_slice %arg7[%add3A_39, %dma_wait3A_73] : memref<40x128xi32, #tpu.memory_space<vmem>> -> memref<1x128xi32, #tpu.memory_space<vmem>>
          %dma_wait3A_75 = tpu.memref_squeeze %dma_wait3A_74 : memref<1x128xi32, #tpu.memory_space<vmem>> -> memref<128xi32, #tpu.memory_space<vmem>>
          %dma_wait3A_76 = arith.constant 0 : i32
          %dma_wait3A_77 = arith.constant 0 : i32
          %dma_wait3A_78 = tpu.memref_slice %arg10[%dma_wait3A_76, %dma_wait3A_77] : memref<10240x128xf32, #tpu.memory_space<vmem_shared>> -> memref<10240x128xf32, #tpu.memory_space<vmem_shared>>
          tpu.wait_indirect_dma semaphore(%run_scoped3A : memref<!tpu.dma_semaphore, #tpu.memory_space<semaphore_mem>>) src(%arg8 : memref<128x128xf32, #tpu.memory_space<vmem>>) dst(%dma_wait3A_78 : memref<10240x128xf32, #tpu.memory_space<vmem_shared>>)
          tpu.yield
        }) : () -> ()
        %add3A_53 = arith.constant 2 : i32
        %add3A_54 = arith.addi %add3A_39, %add3A_53 : i32
        %lt3A = arith.constant 40 : i32
        %lt3A_55 = arith.cmpi slt, %add3A_54, %lt3A : i32
        %convert_element_type3A = arith.extui %lt3A_55 : i1 to i32
        %cond3A = arith.constant 0 : i32
        %cond3A_56 = arith.cmpi ne, %convert_element_type3A, %cond3A : i32
        scf.if %cond3A_56 {
          %add3A_67 = arith.constant 2 : i32
          %add3A_68 = arith.addi %add3A_39, %add3A_67 : i32
          %dma_start3A_69 = arith.constant 0 : i32
          %dma_start3A_70 = tpu.memref_slice %arg6[%add3A_68, %dma_start3A_69] : memref<40x128xi32, #tpu.memory_space<vmem>> -> memref<1x128xi32, #tpu.memory_space<vmem>>
          %dma_start3A_71 = tpu.memref_squeeze %dma_start3A_70 : memref<1x128xi32, #tpu.memory_space<vmem>> -> memref<128xi32, #tpu.memory_space<vmem>>
          %dma_start3A_72 = arith.constant 0 : i32
          %dma_start3A_73 = arith.constant 0 : i32
          %dma_start3A_74 = tpu.memref_slice %arg2[%dma_start3A_72, %dma_start3A_73] : memref<10240x128xf32, #tpu.memory_space<hbm>> -> memref<10240x128xf32, #tpu.memory_space<hbm>>
          tpu.enqueue_indirect_dma source(%dma_start3A_74 : memref<10240x128xf32, #tpu.memory_space<hbm>>) target(%arg8 : memref<128x128xf32, #tpu.memory_space<vmem>>) offsets(%dma_start3A_71 : memref<128xi32, #tpu.memory_space<vmem>>) semaphore(%arg11 : memref<!tpu.dma_semaphore, #tpu.memory_space<semaphore_mem>>)
        } else {
        }
        %add3A_57 = arith.constant 1 : i32
        %add3A_58 = arith.addi %add3A_39, %add3A_57 : i32
        %dma_wait3A_59 = arith.constant 0 : i32
        %dma_wait3A_60 = tpu.memref_slice %arg6[%add3A_58, %dma_wait3A_59] : memref<40x128xi32, #tpu.memory_space<vmem>> -> memref<1x128xi32, #tpu.memory_space<vmem>>
        %dma_wait3A_61 = tpu.memref_squeeze %dma_wait3A_60 : memref<1x128xi32, #tpu.memory_space<vmem>> -> memref<128xi32, #tpu.memory_space<vmem>>
        %dma_wait3A_62 = arith.constant 0 : i32
        %dma_wait3A_63 = arith.constant 0 : i32
        %dma_wait3A_64 = tpu.memref_slice %arg2[%dma_wait3A_62, %dma_wait3A_63] : memref<10240x128xf32, #tpu.memory_space<hbm>> -> memref<10240x128xf32, #tpu.memory_space<hbm>>
        tpu.wait_indirect_dma semaphore(%arg12 : memref<!tpu.dma_semaphore, #tpu.memory_space<semaphore_mem>>) src(%dma_wait3A_64 : memref<10240x128xf32, #tpu.memory_space<hbm>>) dst(%arg9 : memref<128x128xf32, #tpu.memory_space<vmem>>)
        %add3A_65 = arith.constant 1 : i32
        %add3A_66 = arith.addi %add3A_39, %add3A_65 : i32
        "tpu.region"() ({
          %run_scoped3A = tpu.sem_alloc : memref<!tpu.dma_semaphore, #tpu.memory_space<semaphore_mem>>
          %dma_start3A_67 = arith.constant 0 : i32
          %dma_start3A_68 = tpu.memref_slice %arg7[%add3A_66, %dma_start3A_67] : memref<40x128xi32, #tpu.memory_space<vmem>> -> memref<1x128xi32, #tpu.memory_space<vmem>>
          %dma_start3A_69 = tpu.memref_squeeze %dma_start3A_68 : memref<1x128xi32, #tpu.memory_space<vmem>> -> memref<128xi32, #tpu.memory_space<vmem>>
          %dma_start3A_70 = arith.constant 0 : i32
          %dma_start3A_71 = arith.constant 0 : i32
          %dma_start3A_72 = tpu.memref_slice %arg10[%dma_start3A_70, %dma_start3A_71] : memref<10240x128xf32, #tpu.memory_space<vmem_shared>> -> memref<10240x128xf32, #tpu.memory_space<vmem_shared>>
          tpu.enqueue_indirect_dma source(%arg9 : memref<128x128xf32, #tpu.memory_space<vmem>>) target(%dma_start3A_72 : memref<10240x128xf32, #tpu.memory_space<vmem_shared>>) offsets(%dma_start3A_69 : memref<128xi32, #tpu.memory_space<vmem>>) semaphore(%run_scoped3A : memref<!tpu.dma_semaphore, #tpu.memory_space<semaphore_mem>>) {add = true}
          %dma_wait3A_73 = arith.constant 0 : i32
          %dma_wait3A_74 = tpu.memref_slice %arg7[%add3A_66, %dma_wait3A_73] : memref<40x128xi32, #tpu.memory_space<vmem>> -> memref<1x128xi32, #tpu.memory_space<vmem>>
          %dma_wait3A_75 = tpu.memref_squeeze %dma_wait3A_74 : memref<1x128xi32, #tpu.memory_space<vmem>> -> memref<128xi32, #tpu.memory_space<vmem>>
          %dma_wait3A_76 = arith.constant 0 : i32
          %dma_wait3A_77 = arith.constant 0 : i32
          %dma_wait3A_78 = tpu.memref_slice %arg10[%dma_wait3A_76, %dma_wait3A_77] : memref<10240x128xf32, #tpu.memory_space<vmem_shared>> -> memref<10240x128xf32, #tpu.memory_space<vmem_shared>>
          tpu.wait_indirect_dma semaphore(%run_scoped3A : memref<!tpu.dma_semaphore, #tpu.memory_space<semaphore_mem>>) src(%arg9 : memref<128x128xf32, #tpu.memory_space<vmem>>) dst(%dma_wait3A_78 : memref<10240x128xf32, #tpu.memory_space<vmem_shared>>)
          tpu.yield
        }) : () -> ()
      }
      %scan3A_34 = arith.constant 20 : i32
    }
    %scan3A_8 = arith.constant 2 : i32
    %barrier3A_9 = arith.constant 0 : index
    tpu.barrier barrier_id(%barrier3A_9)
    %mul3A_10 = arith.constant 10240 : i32
    %mul3A_11 = arith.muli %arg0, %mul3A_10 : i32
    %add3A_12 = arith.addi %mul3A_11, %mul3A_2 : i32
    "tpu.region"() ({
      %run_scoped3A = tpu.sem_alloc : memref<!tpu.dma_semaphore, #tpu.memory_space<semaphore_mem>>
      %dma_start3A = arith.constant 0 : i32
      %dma_start3A_13 = tpu.memref_slice %arg5[%add3A_12, %dma_start3A] : memref<20480x128xf32, #tpu.memory_space<hbm>> -> memref<640x128xf32, #tpu.memory_space<hbm>>
      %dma_start3A_14 = arith.constant 0 : i32
      %dma_start3A_15 = tpu.memref_slice %arg10[%mul3A_2, %dma_start3A_14] : memref<10240x128xf32, #tpu.memory_space<vmem_shared>> -> memref<640x128xf32, #tpu.memory_space<vmem_shared>>
      tpu.enqueue_dma source(%dma_start3A_15 : memref<640x128xf32, #tpu.memory_space<vmem_shared>>) target(%dma_start3A_13 : memref<640x128xf32, #tpu.memory_space<hbm>>) target_semaphore(%run_scoped3A : memref<!tpu.dma_semaphore, #tpu.memory_space<semaphore_mem>>)
      %dma_wait3A = arith.constant 0 : i32
      %dma_wait3A_16 = tpu.memref_slice %arg5[%add3A_12, %dma_wait3A] : memref<20480x128xf32, #tpu.memory_space<hbm>> -> memref<640x128xf32, #tpu.memory_space<hbm>>
      %dma_wait3A_17 = arith.constant 0 : i32
      %dma_wait3A_18 = tpu.memref_slice %arg10[%mul3A_2, %dma_wait3A_17] : memref<10240x128xf32, #tpu.memory_space<vmem_shared>> -> memref<640x128xf32, #tpu.memory_space<vmem_shared>>
      tpu.wait_dma2 semaphore(%run_scoped3A : memref<!tpu.dma_semaphore, #tpu.memory_space<semaphore_mem>>) src(%dma_wait3A_18 : memref<640x128xf32, #tpu.memory_space<vmem_shared>>) dst(%dma_wait3A_16 : memref<640x128xf32, #tpu.memory_space<hbm>>)
      tpu.yield
    }) : () -> ()
    return
  }
}

#map = affine_map<(d0, d1) -> (0, 0)>
#map1 = affine_map<(d0, d1) -> (0)>
module attributes {stable_mosaic.version = 14 : i64} {
  func.func @_deg_body(%arg0: i32, %arg1: i32, %arg2: memref<2560x128xi32, #tpu.memory_space<hbm>>, %arg3: memref<10240xf32, #tpu.memory_space<hbm>>, %arg4: memref<20480xf32, #tpu.memory_space<hbm>>, %arg5: memref<80x128xi32, #tpu.memory_space<vmem>>, %arg6: memref<128xf32, #tpu.memory_space<vmem>>, %arg7: memref<10240xf32, #tpu.memory_space<vmem_shared>>) attributes {dimension_semantics = [#tpu.dimension_semantics<core_parallel>, #tpu.dimension_semantics<subcore_parallel>], iteration_bounds = array<i64: 2, 16>, scalar_prefetch = 0 : i64, scratch_operands = 3 : i64, tpu.core_type = #tpu.core_type<sc_vector_subcore>, window_params = [{transform_indices = #map}, {transform_indices = #map1}, {transform_indices = #map1}]} {
    %mul3A = arith.constant 2 : i32
    %mul3A_0 = arith.muli %arg1, %mul3A : i32
    %add3A = arith.addi %mul3A_0, %arg0 : i32
    %mul3A_1 = arith.constant 640 : i32
    %mul3A_2 = arith.muli %arg1, %mul3A_1 : i32
    %mul3A_3 = arith.constant 640 : i32
    %mul3A_4 = arith.muli %arg1, %mul3A_3 : i32
    "tpu.region"() ({
      %run_scoped3A = tpu.sem_alloc : memref<!tpu.dma_semaphore, #tpu.memory_space<semaphore_mem>>
      %dma_start3A = tpu.memref_slice %arg7[%mul3A_4] : memref<10240xf32, #tpu.memory_space<vmem_shared>> -> memref<640xf32, #tpu.memory_space<vmem_shared>>
      %dma_start3A_65 = tpu.memref_slice %arg3[%mul3A_2] : memref<10240xf32, #tpu.memory_space<hbm>> -> memref<640xf32, #tpu.memory_space<hbm>>
      tpu.enqueue_dma source(%dma_start3A_65 : memref<640xf32, #tpu.memory_space<hbm>>) target(%dma_start3A : memref<640xf32, #tpu.memory_space<vmem_shared>>) target_semaphore(%run_scoped3A : memref<!tpu.dma_semaphore, #tpu.memory_space<semaphore_mem>>)
      %dma_wait3A = tpu.memref_slice %arg7[%mul3A_4] : memref<10240xf32, #tpu.memory_space<vmem_shared>> -> memref<640xf32, #tpu.memory_space<vmem_shared>>
      %dma_wait3A_66 = tpu.memref_slice %arg3[%mul3A_2] : memref<10240xf32, #tpu.memory_space<hbm>> -> memref<640xf32, #tpu.memory_space<hbm>>
      tpu.wait_dma2 semaphore(%run_scoped3A : memref<!tpu.dma_semaphore, #tpu.memory_space<semaphore_mem>>) src(%dma_wait3A_66 : memref<640xf32, #tpu.memory_space<hbm>>) dst(%dma_wait3A : memref<640xf32, #tpu.memory_space<vmem_shared>>)
      tpu.yield
    }) : () -> ()
    %broadcast_in_dim3A = arith.constant 1.000000e+00 : f32
    %broadcast_in_dim3A_5 = vector.broadcast %broadcast_in_dim3A : f32 to vector<16xf32>
    %swap3A = arith.constant 0 : index
    %swap3A_6 = tpu.vector_load %arg6[%swap3A] {strides = array<i32>} : memref<128xf32, #tpu.memory_space<vmem>>, vector<16xf32>,
    %swap3A_7 = vector.shape_cast %swap3A_6 : vector<16xf32> to vector<16xf32>
    %swap3A_8 = vector.shape_cast %broadcast_in_dim3A_5 : vector<16xf32> to vector<16xf32>
    tpu.vector_store %arg6[%swap3A], %swap3A_8 {strides = array<i32>} : memref<128xf32, #tpu.memory_space<vmem>>, vector<16xf32>,
    %broadcast_in_dim3A_9 = arith.constant 1.000000e+00 : f32
    %broadcast_in_dim3A_10 = vector.broadcast %broadcast_in_dim3A_9 : f32 to vector<16xf32>
    %swap3A_11 = arith.constant 16 : index
    %swap3A_12 = tpu.vector_load %arg6[%swap3A_11] {strides = array<i32>} : memref<128xf32, #tpu.memory_space<vmem>>, vector<16xf32>,
    %swap3A_13 = vector.shape_cast %swap3A_12 : vector<16xf32> to vector<16xf32>
    %swap3A_14 = vector.shape_cast %broadcast_in_dim3A_10 : vector<16xf32> to vector<16xf32>
    tpu.vector_store %arg6[%swap3A_11], %swap3A_14 {strides = array<i32>} : memref<128xf32, #tpu.memory_space<vmem>>, vector<16xf32>,
    %broadcast_in_dim3A_15 = arith.constant 1.000000e+00 : f32
    %broadcast_in_dim3A_16 = vector.broadcast %broadcast_in_dim3A_15 : f32 to vector<16xf32>
    %swap3A_17 = arith.constant 32 : index
    %swap3A_18 = tpu.vector_load %arg6[%swap3A_17] {strides = array<i32>} : memref<128xf32, #tpu.memory_space<vmem>>, vector<16xf32>,
    %swap3A_19 = vector.shape_cast %swap3A_18 : vector<16xf32> to vector<16xf32>
    %swap3A_20 = vector.shape_cast %broadcast_in_dim3A_16 : vector<16xf32> to vector<16xf32>
    tpu.vector_store %arg6[%swap3A_17], %swap3A_20 {strides = array<i32>} : memref<128xf32, #tpu.memory_space<vmem>>, vector<16xf32>,
    %broadcast_in_dim3A_21 = arith.constant 1.000000e+00 : f32
    %broadcast_in_dim3A_22 = vector.broadcast %broadcast_in_dim3A_21 : f32 to vector<16xf32>
    %swap3A_23 = arith.constant 48 : index
    %swap3A_24 = tpu.vector_load %arg6[%swap3A_23] {strides = array<i32>} : memref<128xf32, #tpu.memory_space<vmem>>, vector<16xf32>,
    %swap3A_25 = vector.shape_cast %swap3A_24 : vector<16xf32> to vector<16xf32>
    %swap3A_26 = vector.shape_cast %broadcast_in_dim3A_22 : vector<16xf32> to vector<16xf32>
    tpu.vector_store %arg6[%swap3A_23], %swap3A_26 {strides = array<i32>} : memref<128xf32, #tpu.memory_space<vmem>>, vector<16xf32>,
    %broadcast_in_dim3A_27 = arith.constant 1.000000e+00 : f32
    %broadcast_in_dim3A_28 = vector.broadcast %broadcast_in_dim3A_27 : f32 to vector<16xf32>
    %swap3A_29 = arith.constant 64 : index
    %swap3A_30 = tpu.vector_load %arg6[%swap3A_29] {strides = array<i32>} : memref<128xf32, #tpu.memory_space<vmem>>, vector<16xf32>,
    %swap3A_31 = vector.shape_cast %swap3A_30 : vector<16xf32> to vector<16xf32>
    %swap3A_32 = vector.shape_cast %broadcast_in_dim3A_28 : vector<16xf32> to vector<16xf32>
    tpu.vector_store %arg6[%swap3A_29], %swap3A_32 {strides = array<i32>} : memref<128xf32, #tpu.memory_space<vmem>>, vector<16xf32>,
    %broadcast_in_dim3A_33 = arith.constant 1.000000e+00 : f32
    %broadcast_in_dim3A_34 = vector.broadcast %broadcast_in_dim3A_33 : f32 to vector<16xf32>
    %swap3A_35 = arith.constant 80 : index
    %swap3A_36 = tpu.vector_load %arg6[%swap3A_35] {strides = array<i32>} : memref<128xf32, #tpu.memory_space<vmem>>, vector<16xf32>,
    %swap3A_37 = vector.shape_cast %swap3A_36 : vector<16xf32> to vector<16xf32>
    %swap3A_38 = vector.shape_cast %broadcast_in_dim3A_34 : vector<16xf32> to vector<16xf32>
    tpu.vector_store %arg6[%swap3A_35], %swap3A_38 {strides = array<i32>} : memref<128xf32, #tpu.memory_space<vmem>>, vector<16xf32>,
    %broadcast_in_dim3A_39 = arith.constant 1.000000e+00 : f32
    %broadcast_in_dim3A_40 = vector.broadcast %broadcast_in_dim3A_39 : f32 to vector<16xf32>
    %swap3A_41 = arith.constant 96 : index
    %swap3A_42 = tpu.vector_load %arg6[%swap3A_41] {strides = array<i32>} : memref<128xf32, #tpu.memory_space<vmem>>, vector<16xf32>,
    %swap3A_43 = vector.shape_cast %swap3A_42 : vector<16xf32> to vector<16xf32>
    %swap3A_44 = vector.shape_cast %broadcast_in_dim3A_40 : vector<16xf32> to vector<16xf32>
    tpu.vector_store %arg6[%swap3A_41], %swap3A_44 {strides = array<i32>} : memref<128xf32, #tpu.memory_space<vmem>>, vector<16xf32>,
    %broadcast_in_dim3A_45 = arith.constant 1.000000e+00 : f32
    %broadcast_in_dim3A_46 = vector.broadcast %broadcast_in_dim3A_45 : f32 to vector<16xf32>
    %swap3A_47 = arith.constant 112 : index
    %swap3A_48 = tpu.vector_load %arg6[%swap3A_47] {strides = array<i32>} : memref<128xf32, #tpu.memory_space<vmem>>, vector<16xf32>,
    %swap3A_49 = vector.shape_cast %swap3A_48 : vector<16xf32> to vector<16xf32>
    %swap3A_50 = vector.shape_cast %broadcast_in_dim3A_46 : vector<16xf32> to vector<16xf32>
    tpu.vector_store %arg6[%swap3A_47], %swap3A_50 {strides = array<i32>} : memref<128xf32, #tpu.memory_space<vmem>>, vector<16xf32>,
    %mul3A_51 = arith.constant 80 : i32
    %mul3A_52 = arith.muli %add3A, %mul3A_51 : i32
    "tpu.region"() ({
      %run_scoped3A = tpu.sem_alloc : memref<!tpu.dma_semaphore, #tpu.memory_space<semaphore_mem>>
      %dma_start3A = arith.constant 0 : i32
      %dma_start3A_65 = tpu.memref_slice %arg2[%mul3A_52, %dma_start3A] : memref<2560x128xi32, #tpu.memory_space<hbm>> -> memref<80x128xi32, #tpu.memory_space<hbm>>
      %dma_start3A_66 = arith.constant 0 : i32
      %dma_start3A_67 = tpu.memref_slice %arg2[%mul3A_52, %dma_start3A_66] : memref<2560x128xi32, #tpu.memory_space<hbm>> -> memref<80x128xi32, #tpu.memory_space<hbm>>
      tpu.enqueue_dma source(%dma_start3A_67 : memref<80x128xi32, #tpu.memory_space<hbm>>) target(%arg5 : memref<80x128xi32, #tpu.memory_space<vmem>>) target_semaphore(%run_scoped3A : memref<!tpu.dma_semaphore, #tpu.memory_space<semaphore_mem>>)
      %dma_wait3A = arith.constant 0 : i32
      %dma_wait3A_68 = tpu.memref_slice %arg2[%mul3A_52, %dma_wait3A] : memref<2560x128xi32, #tpu.memory_space<hbm>> -> memref<80x128xi32, #tpu.memory_space<hbm>>
      %dma_wait3A_69 = arith.constant 0 : i32
      %dma_wait3A_70 = tpu.memref_slice %arg2[%mul3A_52, %dma_wait3A_69] : memref<2560x128xi32, #tpu.memory_space<hbm>> -> memref<80x128xi32, #tpu.memory_space<hbm>>
      tpu.wait_dma2 semaphore(%run_scoped3A : memref<!tpu.dma_semaphore, #tpu.memory_space<semaphore_mem>>) src(%dma_wait3A_70 : memref<80x128xi32, #tpu.memory_space<hbm>>) dst(%arg5 : memref<80x128xi32, #tpu.memory_space<vmem>>)
      tpu.yield
    }) : () -> ()
    %barrier3A = arith.constant 0 : index
    tpu.barrier barrier_id(%barrier3A)
    %scan3A = arith.constant 0 : i32
    %scan3A_53 = arith.constant 80 : i32
    %scan3A_54 = arith.addi %scan3A, %scan3A_53 : i32
    %scan3A_55 = arith.constant 1 : i32
    scf.for %scan3A_65 = %scan3A to %scan3A_54 step %scan3A_55  : i32 {
      %mul3A_66 = arith.constant 1 : i32
      %mul3A_67 = arith.muli %scan3A_65, %mul3A_66 : i32
      %add3A_68 = arith.constant 0 : i32
      %add3A_69 = arith.addi %add3A_68, %mul3A_67 : i32
      "tpu.region"() ({
        %run_scoped3A = tpu.sem_alloc : memref<!tpu.dma_semaphore, #tpu.memory_space<semaphore_mem>>
        %dma_start3A = arith.constant 0 : i32
        %dma_start3A_70 = tpu.memref_slice %arg5[%add3A_69, %dma_start3A] : memref<80x128xi32, #tpu.memory_space<vmem>> -> memref<1x128xi32, #tpu.memory_space<vmem>>
        %dma_start3A_71 = tpu.memref_squeeze %dma_start3A_70 : memref<1x128xi32, #tpu.memory_space<vmem>> -> memref<128xi32, #tpu.memory_space<vmem>>
        %dma_start3A_72 = arith.constant 0 : i32
        %dma_start3A_73 = tpu.memref_slice %arg7[%dma_start3A_72] : memref<10240xf32, #tpu.memory_space<vmem_shared>> -> memref<10240xf32, #tpu.memory_space<vmem_shared>>
        tpu.enqueue_indirect_dma source(%arg6 : memref<128xf32, #tpu.memory_space<vmem>>) target(%dma_start3A_73 : memref<10240xf32, #tpu.memory_space<vmem_shared>>) offsets(%dma_start3A_71 : memref<128xi32, #tpu.memory_space<vmem>>) semaphore(%run_scoped3A : memref<!tpu.dma_semaphore, #tpu.memory_space<semaphore_mem>>) {add = true}
        %dma_wait3A = arith.constant 0 : i32
        %dma_wait3A_74 = tpu.memref_slice %arg5[%add3A_69, %dma_wait3A] : memref<80x128xi32, #tpu.memory_space<vmem>> -> memref<1x128xi32, #tpu.memory_space<vmem>>
        %dma_wait3A_75 = tpu.memref_squeeze %dma_wait3A_74 : memref<1x128xi32, #tpu.memory_space<vmem>> -> memref<128xi32, #tpu.memory_space<vmem>>
        %dma_wait3A_76 = arith.constant 0 : i32
        %dma_wait3A_77 = tpu.memref_slice %arg7[%dma_wait3A_76] : memref<10240xf32, #tpu.memory_space<vmem_shared>> -> memref<10240xf32, #tpu.memory_space<vmem_shared>>
        tpu.wait_indirect_dma semaphore(%run_scoped3A : memref<!tpu.dma_semaphore, #tpu.memory_space<semaphore_mem>>) src(%arg6 : memref<128xf32, #tpu.memory_space<vmem>>) dst(%dma_wait3A_77 : memref<10240xf32, #tpu.memory_space<vmem_shared>>)
        tpu.yield
      }) : () -> ()
    }
    %scan3A_56 = arith.constant 80 : i32
    %barrier3A_57 = arith.constant 0 : index
    tpu.barrier barrier_id(%barrier3A_57)
    %mul3A_58 = arith.constant 10240 : i32
    %mul3A_59 = arith.muli %arg0, %mul3A_58 : i32
    %mul3A_60 = arith.constant 640 : i32
    %mul3A_61 = arith.muli %arg1, %mul3A_60 : i32
    %add3A_62 = arith.addi %mul3A_59, %mul3A_61 : i32
    %mul3A_63 = arith.constant 640 : i32
    %mul3A_64 = arith.muli %arg1, %mul3A_63 : i32
    "tpu.region"() ({
      %run_scoped3A = tpu.sem_alloc : memref<!tpu.dma_semaphore, #tpu.memory_space<semaphore_mem>>
      %dma_start3A = tpu.memref_slice %arg4[%add3A_62] : memref<20480xf32, #tpu.memory_space<hbm>> -> memref<640xf32, #tpu.memory_space<hbm>>
      %dma_start3A_65 = tpu.memref_slice %arg7[%mul3A_64] : memref<10240xf32, #tpu.memory_space<vmem_shared>> -> memref<640xf32, #tpu.memory_space<vmem_shared>>
      tpu.enqueue_dma source(%dma_start3A_65 : memref<640xf32, #tpu.memory_space<vmem_shared>>) target(%dma_start3A : memref<640xf32, #tpu.memory_space<hbm>>) target_semaphore(%run_scoped3A : memref<!tpu.dma_semaphore, #tpu.memory_space<semaphore_mem>>)
      %dma_wait3A = tpu.memref_slice %arg4[%add3A_62] : memref<20480xf32, #tpu.memory_space<hbm>> -> memref<640xf32, #tpu.memory_space<hbm>>
      %dma_wait3A_66 = tpu.memref_slice %arg7[%mul3A_64] : memref<10240xf32, #tpu.memory_space<vmem_shared>> -> memref<640xf32, #tpu.memory_space<vmem_shared>>
      tpu.wait_dma2 semaphore(%run_scoped3A : memref<!tpu.dma_semaphore, #tpu.memory_space<semaphore_mem>>) src(%dma_wait3A_66 : memref<640xf32, #tpu.memory_space<vmem_shared>>) dst(%dma_wait3A : memref<640xf32, #tpu.memory_space<hbm>>)
      tpu.yield
    }) : () -> ()
    return
  }
}

#map = affine_map<(d0, d1) -> (0, 0)>
module attributes {stable_mosaic.version = 14 : i64} {
  func.func @_agg_body(%arg0: i32, %arg1: i32, %arg2: memref<10240x128xf32, #tpu.memory_space<hbm>>, %arg3: memref<2560x128xi32, #tpu.memory_space<hbm>>, %arg4: memref<2560x128xi32, #tpu.memory_space<hbm>>, %arg5: memref<20480x128xf32, #tpu.memory_space<hbm>>, %arg6: memref<40x128xi32, #tpu.memory_space<vmem>>, %arg7: memref<40x128xi32, #tpu.memory_space<vmem>>, %arg8: memref<128x128xf32, #tpu.memory_space<vmem>>, %arg9: memref<128x128xf32, #tpu.memory_space<vmem>>, %arg10: memref<10240x128xf32, #tpu.memory_space<vmem_shared>>, %arg11: memref<!tpu.dma_semaphore, #tpu.memory_space<semaphore_mem>>, %arg12: memref<!tpu.dma_semaphore, #tpu.memory_space<semaphore_mem>>) attributes {dimension_semantics = [#tpu.dimension_semantics<core_parallel>, #tpu.dimension_semantics<subcore_parallel>], iteration_bounds = array<i64: 2, 16>, scalar_prefetch = 0 : i64, scratch_operands = 7 : i64, tpu.core_type = #tpu.core_type<sc_vector_subcore>, window_params = [{transform_indices = #map}, {transform_indices = #map}, {transform_indices = #map}, {transform_indices = #map}]} {
    %mul3A = arith.constant 2 : i32
    %mul3A_0 = arith.muli %arg1, %mul3A : i32
    %add3A = arith.addi %mul3A_0, %arg0 : i32
    %mul3A_1 = arith.constant 640 : i32
    %mul3A_2 = arith.muli %arg1, %mul3A_1 : i32
    %mul3A_3 = arith.constant 80 : i32
    %mul3A_4 = arith.muli %add3A, %mul3A_3 : i32
    "tpu.region"() ({
      %run_scoped3A = tpu.sem_alloc : memref<!tpu.dma_semaphore, #tpu.memory_space<semaphore_mem>>
      %dma_start3A = arith.constant 0 : i32
      %dma_start3A_13 = tpu.memref_slice %arg10[%mul3A_2, %dma_start3A] : memref<10240x128xf32, #tpu.memory_space<vmem_shared>> -> memref<640x128xf32, #tpu.memory_space<vmem_shared>>
      %dma_start3A_14 = arith.constant 0 : i32
      %dma_start3A_15 = tpu.memref_slice %arg2[%mul3A_2, %dma_start3A_14] : memref<10240x128xf32, #tpu.memory_space<hbm>> -> memref<640x128xf32, #tpu.memory_space<hbm>>
      tpu.enqueue_dma source(%dma_start3A_15 : memref<640x128xf32, #tpu.memory_space<hbm>>) target(%dma_start3A_13 : memref<640x128xf32, #tpu.memory_space<vmem_shared>>) target_semaphore(%run_scoped3A : memref<!tpu.dma_semaphore, #tpu.memory_space<semaphore_mem>>)
      %dma_wait3A = arith.constant 0 : i32
      %dma_wait3A_16 = tpu.memref_slice %arg10[%mul3A_2, %dma_wait3A] : memref<10240x128xf32, #tpu.memory_space<vmem_shared>> -> memref<640x128xf32, #tpu.memory_space<vmem_shared>>
      %dma_wait3A_17 = arith.constant 0 : i32
      %dma_wait3A_18 = tpu.memref_slice %arg2[%mul3A_2, %dma_wait3A_17] : memref<10240x128xf32, #tpu.memory_space<hbm>> -> memref<640x128xf32, #tpu.memory_space<hbm>>
      tpu.wait_dma2 semaphore(%run_scoped3A : memref<!tpu.dma_semaphore, #tpu.memory_space<semaphore_mem>>) src(%dma_wait3A_18 : memref<640x128xf32, #tpu.memory_space<hbm>>) dst(%dma_wait3A_16 : memref<640x128xf32, #tpu.memory_space<vmem_shared>>)
      tpu.yield
    }) : () -> ()
    %barrier3A = arith.constant 0 : index
    tpu.barrier barrier_id(%barrier3A)
    %scan3A = arith.constant 0 : i32
    %scan3A_5 = arith.constant 2 : i32
    %scan3A_6 = arith.addi %scan3A, %scan3A_5 : i32
    %scan3A_7 = arith.constant 1 : i32
    scf.for %scan3A_13 = %scan3A to %scan3A_6 step %scan3A_7  : i32 {
      %mul3A_14 = arith.constant 1 : i32
      %mul3A_15 = arith.muli %scan3A_13, %mul3A_14 : i32
      %add3A_16 = arith.constant 0 : i32
      %add3A_17 = arith.addi %add3A_16, %mul3A_15 : i32
      %mul3A_18 = arith.constant 40 : i32
      %mul3A_19 = arith.muli %add3A_17, %mul3A_18 : i32
      %add3A_20 = arith.addi %mul3A_4, %mul3A_19 : i32
      "tpu.region"() ({
        %run_scoped3A = tpu.sem_alloc : memref<!tpu.dma_semaphore, #tpu.memory_space<semaphore_mem>>
        %dma_start3A_35 = arith.constant 0 : i32
        %dma_start3A_36 = tpu.memref_slice %arg3[%add3A_20, %dma_start3A_35] : memref<2560x128xi32, #tpu.memory_space<hbm>> -> memref<40x128xi32, #tpu.memory_space<hbm>>
        %dma_start3A_37 = arith.constant 0 : i32
        %dma_start3A_38 = tpu.memref_slice %arg3[%add3A_20, %dma_start3A_37] : memref<2560x128xi32, #tpu.memory_space<hbm>> -> memref<40x128xi32, #tpu.memory_space<hbm>>
        tpu.enqueue_dma source(%dma_start3A_38 : memref<40x128xi32, #tpu.memory_space<hbm>>) target(%arg6 : memref<40x128xi32, #tpu.memory_space<vmem>>) target_semaphore(%run_scoped3A : memref<!tpu.dma_semaphore, #tpu.memory_space<semaphore_mem>>)
        %dma_wait3A = arith.constant 0 : i32
        %dma_wait3A_39 = tpu.memref_slice %arg3[%add3A_20, %dma_wait3A] : memref<2560x128xi32, #tpu.memory_space<hbm>> -> memref<40x128xi32, #tpu.memory_space<hbm>>
        %dma_wait3A_40 = arith.constant 0 : i32
        %dma_wait3A_41 = tpu.memref_slice %arg3[%add3A_20, %dma_wait3A_40] : memref<2560x128xi32, #tpu.memory_space<hbm>> -> memref<40x128xi32, #tpu.memory_space<hbm>>
        tpu.wait_dma2 semaphore(%run_scoped3A : memref<!tpu.dma_semaphore, #tpu.memory_space<semaphore_mem>>) src(%dma_wait3A_41 : memref<40x128xi32, #tpu.memory_space<hbm>>) dst(%arg6 : memref<40x128xi32, #tpu.memory_space<vmem>>)
        tpu.yield
      }) : () -> ()
      %mul3A_21 = arith.constant 40 : i32
      %mul3A_22 = arith.muli %add3A_17, %mul3A_21 : i32
      %add3A_23 = arith.addi %mul3A_4, %mul3A_22 : i32
      "tpu.region"() ({
        %run_scoped3A = tpu.sem_alloc : memref<!tpu.dma_semaphore, #tpu.memory_space<semaphore_mem>>
        %dma_start3A_35 = arith.constant 0 : i32
        %dma_start3A_36 = tpu.memref_slice %arg4[%add3A_23, %dma_start3A_35] : memref<2560x128xi32, #tpu.memory_space<hbm>> -> memref<40x128xi32, #tpu.memory_space<hbm>>
        %dma_start3A_37 = arith.constant 0 : i32
        %dma_start3A_38 = tpu.memref_slice %arg4[%add3A_23, %dma_start3A_37] : memref<2560x128xi32, #tpu.memory_space<hbm>> -> memref<40x128xi32, #tpu.memory_space<hbm>>
        tpu.enqueue_dma source(%dma_start3A_38 : memref<40x128xi32, #tpu.memory_space<hbm>>) target(%arg7 : memref<40x128xi32, #tpu.memory_space<vmem>>) target_semaphore(%run_scoped3A : memref<!tpu.dma_semaphore, #tpu.memory_space<semaphore_mem>>)
        %dma_wait3A = arith.constant 0 : i32
        %dma_wait3A_39 = tpu.memref_slice %arg4[%add3A_23, %dma_wait3A] : memref<2560x128xi32, #tpu.memory_space<hbm>> -> memref<40x128xi32, #tpu.memory_space<hbm>>
        %dma_wait3A_40 = arith.constant 0 : i32
        %dma_wait3A_41 = tpu.memref_slice %arg4[%add3A_23, %dma_wait3A_40] : memref<2560x128xi32, #tpu.memory_space<hbm>> -> memref<40x128xi32, #tpu.memory_space<hbm>>
        tpu.wait_dma2 semaphore(%run_scoped3A : memref<!tpu.dma_semaphore, #tpu.memory_space<semaphore_mem>>) src(%dma_wait3A_41 : memref<40x128xi32, #tpu.memory_space<hbm>>) dst(%arg7 : memref<40x128xi32, #tpu.memory_space<vmem>>)
        tpu.yield
      }) : () -> ()
      %dma_start3A = arith.constant 0 : i32
      %dma_start3A_24 = arith.constant 0 : i32
      %dma_start3A_25 = tpu.memref_slice %arg6[%dma_start3A, %dma_start3A_24] : memref<40x128xi32, #tpu.memory_space<vmem>> -> memref<1x128xi32, #tpu.memory_space<vmem>>
      %dma_start3A_26 = tpu.memref_squeeze %dma_start3A_25 : memref<1x128xi32, #tpu.memory_space<vmem>> -> memref<128xi32, #tpu.memory_space<vmem>>
      %dma_start3A_27 = arith.constant 0 : i32
      %dma_start3A_28 = arith.constant 0 : i32
      %dma_start3A_29 = tpu.memref_slice %arg2[%dma_start3A_27, %dma_start3A_28] : memref<10240x128xf32, #tpu.memory_space<hbm>> -> memref<10240x128xf32, #tpu.memory_space<hbm>>
      tpu.enqueue_indirect_dma source(%dma_start3A_29 : memref<10240x128xf32, #tpu.memory_space<hbm>>) target(%arg8 : memref<128x128xf32, #tpu.memory_space<vmem>>) offsets(%dma_start3A_26 : memref<128xi32, #tpu.memory_space<vmem>>) semaphore(%arg11 : memref<!tpu.dma_semaphore, #tpu.memory_space<semaphore_mem>>)
      %scan3A_30 = arith.constant 0 : i32
      %scan3A_31 = arith.constant 20 : i32
      %scan3A_32 = arith.addi %scan3A_30, %scan3A_31 : i32
      %scan3A_33 = arith.constant 1 : i32
      scf.for %scan3A_35 = %scan3A_30 to %scan3A_32 step %scan3A_33  : i32 {
        %mul3A_36 = arith.constant 2 : i32
        %mul3A_37 = arith.muli %scan3A_35, %mul3A_36 : i32
        %add3A_38 = arith.constant 0 : i32
        %add3A_39 = arith.addi %add3A_38, %mul3A_37 : i32
        %add3A_40 = arith.constant 1 : i32
        %add3A_41 = arith.addi %add3A_39, %add3A_40 : i32
        %dma_start3A_42 = arith.constant 0 : i32
        %dma_start3A_43 = tpu.memref_slice %arg6[%add3A_41, %dma_start3A_42] : memref<40x128xi32, #tpu.memory_space<vmem>> -> memref<1x128xi32, #tpu.memory_space<vmem>>
        %dma_start3A_44 = tpu.memref_squeeze %dma_start3A_43 : memref<1x128xi32, #tpu.memory_space<vmem>> -> memref<128xi32, #tpu.memory_space<vmem>>
        %dma_start3A_45 = arith.constant 0 : i32
        %dma_start3A_46 = arith.constant 0 : i32
        %dma_start3A_47 = tpu.memref_slice %arg2[%dma_start3A_45, %dma_start3A_46] : memref<10240x128xf32, #tpu.memory_space<hbm>> -> memref<10240x128xf32, #tpu.memory_space<hbm>>
        tpu.enqueue_indirect_dma source(%dma_start3A_47 : memref<10240x128xf32, #tpu.memory_space<hbm>>) target(%arg9 : memref<128x128xf32, #tpu.memory_space<vmem>>) offsets(%dma_start3A_44 : memref<128xi32, #tpu.memory_space<vmem>>) semaphore(%arg12 : memref<!tpu.dma_semaphore, #tpu.memory_space<semaphore_mem>>)
        %dma_wait3A = arith.constant 0 : i32
        %dma_wait3A_48 = tpu.memref_slice %arg6[%add3A_39, %dma_wait3A] : memref<40x128xi32, #tpu.memory_space<vmem>> -> memref<1x128xi32, #tpu.memory_space<vmem>>
        %dma_wait3A_49 = tpu.memref_squeeze %dma_wait3A_48 : memref<1x128xi32, #tpu.memory_space<vmem>> -> memref<128xi32, #tpu.memory_space<vmem>>
        %dma_wait3A_50 = arith.constant 0 : i32
        %dma_wait3A_51 = arith.constant 0 : i32
        %dma_wait3A_52 = tpu.memref_slice %arg2[%dma_wait3A_50, %dma_wait3A_51] : memref<10240x128xf32, #tpu.memory_space<hbm>> -> memref<10240x128xf32, #tpu.memory_space<hbm>>
        tpu.wait_indirect_dma semaphore(%arg11 : memref<!tpu.dma_semaphore, #tpu.memory_space<semaphore_mem>>) src(%dma_wait3A_52 : memref<10240x128xf32, #tpu.memory_space<hbm>>) dst(%arg8 : memref<128x128xf32, #tpu.memory_space<vmem>>)
        "tpu.region"() ({
          %run_scoped3A = tpu.sem_alloc : memref<!tpu.dma_semaphore, #tpu.memory_space<semaphore_mem>>
          %dma_start3A_67 = arith.constant 0 : i32
          %dma_start3A_68 = tpu.memref_slice %arg7[%add3A_39, %dma_start3A_67] : memref<40x128xi32, #tpu.memory_space<vmem>> -> memref<1x128xi32, #tpu.memory_space<vmem>>
          %dma_start3A_69 = tpu.memref_squeeze %dma_start3A_68 : memref<1x128xi32, #tpu.memory_space<vmem>> -> memref<128xi32, #tpu.memory_space<vmem>>
          %dma_start3A_70 = arith.constant 0 : i32
          %dma_start3A_71 = arith.constant 0 : i32
          %dma_start3A_72 = tpu.memref_slice %arg10[%dma_start3A_70, %dma_start3A_71] : memref<10240x128xf32, #tpu.memory_space<vmem_shared>> -> memref<10240x128xf32, #tpu.memory_space<vmem_shared>>
          tpu.enqueue_indirect_dma source(%arg8 : memref<128x128xf32, #tpu.memory_space<vmem>>) target(%dma_start3A_72 : memref<10240x128xf32, #tpu.memory_space<vmem_shared>>) offsets(%dma_start3A_69 : memref<128xi32, #tpu.memory_space<vmem>>) semaphore(%run_scoped3A : memref<!tpu.dma_semaphore, #tpu.memory_space<semaphore_mem>>) {add = true}
          %dma_wait3A_73 = arith.constant 0 : i32
          %dma_wait3A_74 = tpu.memref_slice %arg7[%add3A_39, %dma_wait3A_73] : memref<40x128xi32, #tpu.memory_space<vmem>> -> memref<1x128xi32, #tpu.memory_space<vmem>>
          %dma_wait3A_75 = tpu.memref_squeeze %dma_wait3A_74 : memref<1x128xi32, #tpu.memory_space<vmem>> -> memref<128xi32, #tpu.memory_space<vmem>>
          %dma_wait3A_76 = arith.constant 0 : i32
          %dma_wait3A_77 = arith.constant 0 : i32
          %dma_wait3A_78 = tpu.memref_slice %arg10[%dma_wait3A_76, %dma_wait3A_77] : memref<10240x128xf32, #tpu.memory_space<vmem_shared>> -> memref<10240x128xf32, #tpu.memory_space<vmem_shared>>
          tpu.wait_indirect_dma semaphore(%run_scoped3A : memref<!tpu.dma_semaphore, #tpu.memory_space<semaphore_mem>>) src(%arg8 : memref<128x128xf32, #tpu.memory_space<vmem>>) dst(%dma_wait3A_78 : memref<10240x128xf32, #tpu.memory_space<vmem_shared>>)
          tpu.yield
        }) : () -> ()
        %add3A_53 = arith.constant 2 : i32
        %add3A_54 = arith.addi %add3A_39, %add3A_53 : i32
        %lt3A = arith.constant 40 : i32
        %lt3A_55 = arith.cmpi slt, %add3A_54, %lt3A : i32
        %convert_element_type3A = arith.extui %lt3A_55 : i1 to i32
        %cond3A = arith.constant 0 : i32
        %cond3A_56 = arith.cmpi ne, %convert_element_type3A, %cond3A : i32
        scf.if %cond3A_56 {
          %add3A_67 = arith.constant 2 : i32
          %add3A_68 = arith.addi %add3A_39, %add3A_67 : i32
          %dma_start3A_69 = arith.constant 0 : i32
          %dma_start3A_70 = tpu.memref_slice %arg6[%add3A_68, %dma_start3A_69] : memref<40x128xi32, #tpu.memory_space<vmem>> -> memref<1x128xi32, #tpu.memory_space<vmem>>
          %dma_start3A_71 = tpu.memref_squeeze %dma_start3A_70 : memref<1x128xi32, #tpu.memory_space<vmem>> -> memref<128xi32, #tpu.memory_space<vmem>>
          %dma_start3A_72 = arith.constant 0 : i32
          %dma_start3A_73 = arith.constant 0 : i32
          %dma_start3A_74 = tpu.memref_slice %arg2[%dma_start3A_72, %dma_start3A_73] : memref<10240x128xf32, #tpu.memory_space<hbm>> -> memref<10240x128xf32, #tpu.memory_space<hbm>>
          tpu.enqueue_indirect_dma source(%dma_start3A_74 : memref<10240x128xf32, #tpu.memory_space<hbm>>) target(%arg8 : memref<128x128xf32, #tpu.memory_space<vmem>>) offsets(%dma_start3A_71 : memref<128xi32, #tpu.memory_space<vmem>>) semaphore(%arg11 : memref<!tpu.dma_semaphore, #tpu.memory_space<semaphore_mem>>)
        } else {
        }
        %add3A_57 = arith.constant 1 : i32
        %add3A_58 = arith.addi %add3A_39, %add3A_57 : i32
        %dma_wait3A_59 = arith.constant 0 : i32
        %dma_wait3A_60 = tpu.memref_slice %arg6[%add3A_58, %dma_wait3A_59] : memref<40x128xi32, #tpu.memory_space<vmem>> -> memref<1x128xi32, #tpu.memory_space<vmem>>
        %dma_wait3A_61 = tpu.memref_squeeze %dma_wait3A_60 : memref<1x128xi32, #tpu.memory_space<vmem>> -> memref<128xi32, #tpu.memory_space<vmem>>
        %dma_wait3A_62 = arith.constant 0 : i32
        %dma_wait3A_63 = arith.constant 0 : i32
        %dma_wait3A_64 = tpu.memref_slice %arg2[%dma_wait3A_62, %dma_wait3A_63] : memref<10240x128xf32, #tpu.memory_space<hbm>> -> memref<10240x128xf32, #tpu.memory_space<hbm>>
        tpu.wait_indirect_dma semaphore(%arg12 : memref<!tpu.dma_semaphore, #tpu.memory_space<semaphore_mem>>) src(%dma_wait3A_64 : memref<10240x128xf32, #tpu.memory_space<hbm>>) dst(%arg9 : memref<128x128xf32, #tpu.memory_space<vmem>>)
        %add3A_65 = arith.constant 1 : i32
        %add3A_66 = arith.addi %add3A_39, %add3A_65 : i32
        "tpu.region"() ({
          %run_scoped3A = tpu.sem_alloc : memref<!tpu.dma_semaphore, #tpu.memory_space<semaphore_mem>>
          %dma_start3A_67 = arith.constant 0 : i32
          %dma_start3A_68 = tpu.memref_slice %arg7[%add3A_66, %dma_start3A_67] : memref<40x128xi32, #tpu.memory_space<vmem>> -> memref<1x128xi32, #tpu.memory_space<vmem>>
          %dma_start3A_69 = tpu.memref_squeeze %dma_start3A_68 : memref<1x128xi32, #tpu.memory_space<vmem>> -> memref<128xi32, #tpu.memory_space<vmem>>
          %dma_start3A_70 = arith.constant 0 : i32
          %dma_start3A_71 = arith.constant 0 : i32
          %dma_start3A_72 = tpu.memref_slice %arg10[%dma_start3A_70, %dma_start3A_71] : memref<10240x128xf32, #tpu.memory_space<vmem_shared>> -> memref<10240x128xf32, #tpu.memory_space<vmem_shared>>
          tpu.enqueue_indirect_dma source(%arg9 : memref<128x128xf32, #tpu.memory_space<vmem>>) target(%dma_start3A_72 : memref<10240x128xf32, #tpu.memory_space<vmem_shared>>) offsets(%dma_start3A_69 : memref<128xi32, #tpu.memory_space<vmem>>) semaphore(%run_scoped3A : memref<!tpu.dma_semaphore, #tpu.memory_space<semaphore_mem>>) {add = true}
          %dma_wait3A_73 = arith.constant 0 : i32
          %dma_wait3A_74 = tpu.memref_slice %arg7[%add3A_66, %dma_wait3A_73] : memref<40x128xi32, #tpu.memory_space<vmem>> -> memref<1x128xi32, #tpu.memory_space<vmem>>
          %dma_wait3A_75 = tpu.memref_squeeze %dma_wait3A_74 : memref<1x128xi32, #tpu.memory_space<vmem>> -> memref<128xi32, #tpu.memory_space<vmem>>
          %dma_wait3A_76 = arith.constant 0 : i32
          %dma_wait3A_77 = arith.constant 0 : i32
          %dma_wait3A_78 = tpu.memref_slice %arg10[%dma_wait3A_76, %dma_wait3A_77] : memref<10240x128xf32, #tpu.memory_space<vmem_shared>> -> memref<10240x128xf32, #tpu.memory_space<vmem_shared>>
          tpu.wait_indirect_dma semaphore(%run_scoped3A : memref<!tpu.dma_semaphore, #tpu.memory_space<semaphore_mem>>) src(%arg9 : memref<128x128xf32, #tpu.memory_space<vmem>>) dst(%dma_wait3A_78 : memref<10240x128xf32, #tpu.memory_space<vmem_shared>>)
          tpu.yield
        }) : () -> ()
      }
      %scan3A_34 = arith.constant 20 : i32
    }
    %scan3A_8 = arith.constant 2 : i32
    %barrier3A_9 = arith.constant 0 : index
    tpu.barrier barrier_id(%barrier3A_9)
    %mul3A_10 = arith.constant 10240 : i32
    %mul3A_11 = arith.muli %arg0, %mul3A_10 : i32
    %add3A_12 = arith.addi %mul3A_11, %mul3A_2 : i32
    "tpu.region"() ({
      %run_scoped3A = tpu.sem_alloc : memref<!tpu.dma_semaphore, #tpu.memory_space<semaphore_mem>>
      %dma_start3A = arith.constant 0 : i32
      %dma_start3A_13 = tpu.memref_slice %arg5[%add3A_12, %dma_start3A] : memref<20480x128xf32, #tpu.memory_space<hbm>> -> memref<640x128xf32, #tpu.memory_space<hbm>>
      %dma_start3A_14 = arith.constant 0 : i32
      %dma_start3A_15 = tpu.memref_slice %arg10[%mul3A_2, %dma_start3A_14] : memref<10240x128xf32, #tpu.memory_space<vmem_shared>> -> memref<640x128xf32, #tpu.memory_space<vmem_shared>>
      tpu.enqueue_dma source(%dma_start3A_15 : memref<640x128xf32, #tpu.memory_space<vmem_shared>>) target(%dma_start3A_13 : memref<640x128xf32, #tpu.memory_space<hbm>>) target_semaphore(%run_scoped3A : memref<!tpu.dma_semaphore, #tpu.memory_space<semaphore_mem>>)
      %dma_wait3A = arith.constant 0 : i32
      %dma_wait3A_16 = tpu.memref_slice %arg5[%add3A_12, %dma_wait3A] : memref<20480x128xf32, #tpu.memory_space<hbm>> -> memref<640x128xf32, #tpu.memory_space<hbm>>
      %dma_wait3A_17 = arith.constant 0 : i32
      %dma_wait3A_18 = tpu.memref_slice %arg10[%mul3A_2, %dma_wait3A_17] : memref<10240x128xf32, #tpu.memory_space<vmem_shared>> -> memref<640x128xf32, #tpu.memory_space<vmem_shared>>
      tpu.wait_dma2 semaphore(%run_scoped3A : memref<!tpu.dma_semaphore, #tpu.memory_space<semaphore_mem>>) src(%dma_wait3A_18 : memref<640x128xf32, #tpu.memory_space<vmem_shared>>) dst(%dma_wait3A_16 : memref<640x128xf32, #tpu.memory_space<hbm>>)
      tpu.yield
    }) : () -> ()
    return
  }
}

module attributes {stable_mosaic.version = 14 : i64} {
  func.func @_mm_scale_body(%arg0: i32, %arg1: memref<2048x128xf32, #tpu.memory_space<vmem>>, %arg2: memref<128x128xf32, #tpu.memory_space<vmem>>, %arg3: memref<2048x1xf32, #tpu.memory_space<vmem>>, %arg4: memref<2048x128xf32, #tpu.memory_space<vmem>>) attributes {dimension_semantics = [#tpu.dimension_semantics<arbitrary>], iteration_bounds = array<i64: 5>, scalar_prefetch = 0 : i64, scratch_operands = 0 : i64, tpu.core_type = #tpu.core_type<tc>, window_params = [{transform_indices = @transform_0, window_bounds = array<i64: 2048, 128>}, {pipeline_mode = #tpu.pipeline_mode<synchronous>, transform_indices = @transform_1, window_bounds = array<i64: 128, 128>}, {transform_indices = @transform_2, window_bounds = array<i64: 2048, 1>}, {transform_indices = @transform_3, window_bounds = array<i64: 2048, 128>}]} {
    %get3A = arith.constant 0 : index
    %get3A_0 = arith.constant 0 : index
    %get3A_1 = vector.load %arg1[%get3A, %get3A_0] : memref<2048x128xf32, #tpu.memory_space<vmem>>, vector<2048x128xf32>
    %convert_element_type3A = arith.truncf %get3A_1 : vector<2048x128xf32> to vector<2048x128xbf16>
    %get3A_2 = arith.constant 0 : index
    %get3A_3 = arith.constant 0 : index
    %get3A_4 = vector.load %arg2[%get3A_2, %get3A_3] : memref<128x128xf32, #tpu.memory_space<vmem>>, vector<128x128xf32>
    %convert_element_type3A_5 = arith.truncf %get3A_4 : vector<128x128xf32> to vector<128x128xbf16>
    %dot_general3A = arith.constant dense<0.000000e+00> : vector<2048x128xf32>
    %dot_general3A_6 = tpu.matmul %convert_element_type3A, %convert_element_type3A_5, %dot_general3A {dimension_numbers = #tpu.dot_dimension_numbers<[1], [1], [0], [0], [0, 0, 1, 0], [], []>, transpose_lhs_hint = false} : vector<2048x128xbf16>, vector<128x128xbf16>, vector<2048x128xf32> -> vector<2048x128xf32>
    %get3A_7 = arith.constant 0 : index
    %get3A_8 = arith.constant 0 : index
    %get3A_9 = vector.load %arg3[%get3A_7, %get3A_8] : memref<2048x1xf32, #tpu.memory_space<vmem>>, vector<2048x1xf32>
    %mul3A = vector.broadcast %get3A_9 : vector<2048x1xf32> to vector<2048x128xf32>
    %mul3A_10 = arith.mulf %dot_general3A_6, %mul3A : vector<2048x128xf32>
    %mul3A_11 = arith.constant 2048 : i32
    %mul3A_12 = arith.muli %arg0, %mul3A_11 : i32
    %iota3A = tpu.iota {dimensions = array<i32: 0>} : vector<2048x1xi32>
    %add3A = vector.broadcast %mul3A_12 : i32 to vector<2048x1xi32>
    %add3A_13 = arith.addi %add3A, %iota3A : vector<2048x1xi32>
    %lt3A = arith.constant 10000 : i32
    %lt3A_14 = vector.broadcast %lt3A : i32 to vector<2048x1xi32>
    %lt3A_15 = arith.cmpi slt, %add3A_13, %lt3A_14 : vector<2048x1xi32>
    %jit3A = arith.constant 0.000000e+00 : f32
    %broadcast_in_dim3A = vector.shape_cast %lt3A_15 : vector<2048x1xi1> to vector<2048x1xi1>
    %broadcast_in_dim3A_16 = vector.broadcast %broadcast_in_dim3A : vector<2048x1xi1> to vector<2048x128xi1>
    %broadcast_in_dim3A_17 = vector.broadcast %jit3A : f32 to vector<2048x128xf32>
    %select_n3A = arith.select %broadcast_in_dim3A_16, %mul3A_10, %broadcast_in_dim3A_17 : vector<2048x128xi1>, vector<2048x128xf32>
    %swap3A = arith.constant 0 : index
    %swap3A_18 = arith.constant 0 : index
    %swap3A_19 = vector.load %arg4[%swap3A, %swap3A_18] : memref<2048x128xf32, #tpu.memory_space<vmem>>, vector<2048x128xf32>
    tpu.vector_store %arg4[%swap3A, %swap3A_18], %select_n3A {strides = array<i32>} : memref<2048x128xf32, #tpu.memory_space<vmem>>, vector<2048x128xf32>,
    return
  }
  func.func @transform_0(%arg0: i32) -> (i32, i32) {
    %c0_i32 = arith.constant 0 : i32
    %c0_i32_0 = arith.constant 0 : i32
    return %arg0, %c0_i32 : i32, i32
  }
  func.func @transform_1(%arg0: i32) -> (i32, i32) {
    %c0_i32 = arith.constant 0 : i32
    %c0_i32_0 = arith.constant 0 : i32
    %c0_i32_1 = arith.constant 0 : i32
    return %c0_i32, %c0_i32_0 : i32, i32
  }
  func.func @transform_2(%arg0: i32) -> (i32, i32) {
    %c0_i32 = arith.constant 0 : i32
    %c0_i32_0 = arith.constant 0 : i32
    return %arg0, %c0_i32 : i32, i32
  }
  func.func @transform_3(%arg0: i32) -> (i32, i32) {
    %c0_i32 = arith.constant 0 : i32
    %c0_i32_0 = arith.constant 0 : i32
    return %arg0, %c0_i32 : i32, i32
  }
}

module attributes {stable_mosaic.version = 14 : i64} {
  func.func @_fused_body(%arg0: i32, %arg1: i32, %arg2: memref<1x2048x128xf32, #tpu.memory_space<vmem>>, %arg3: memref<1x2048x128xf32, #tpu.memory_space<vmem>>, %arg4: memref<2048x128xf32, #tpu.memory_space<vmem>>, %arg5: memref<2048x1xf32, #tpu.memory_space<vmem>>, %arg6: memref<1x128xf32, #tpu.memory_space<vmem>>, %arg7: memref<1x128xf32, #tpu.memory_space<vmem>>, %arg8: memref<1x128xf32, #tpu.memory_space<vmem>>, %arg9: memref<128x128xf32, #tpu.memory_space<vmem>>, %arg10: memref<2048x1xf32, #tpu.memory_space<vmem>>, %arg11: memref<2048x128xf32, #tpu.memory_space<vmem>>, %arg12: memref<2x128xf32, #tpu.memory_space<vmem>>, %arg13: memref<10240x128xf32, #tpu.memory_space<vmem>>) attributes {dimension_semantics = [#tpu.dimension_semantics<arbitrary>, #tpu.dimension_semantics<arbitrary>], iteration_bounds = array<i64: 2, 5>, scalar_prefetch = 0 : i64, scratch_operands = 2 : i64, tpu.core_type = #tpu.core_type<tc>, window_params = [{transform_indices = @transform_0, window_bounds = array<i64: 1, 2048, 128>}, {transform_indices = @transform_1, window_bounds = array<i64: 1, 2048, 128>}, {transform_indices = @transform_2, window_bounds = array<i64: 2048, 128>}, {transform_indices = @transform_3, window_bounds = array<i64: 2048, 1>}, {pipeline_mode = #tpu.pipeline_mode<synchronous>, transform_indices = @transform_4, window_bounds = array<i64: 1, 128>}, {pipeline_mode = #tpu.pipeline_mode<synchronous>, transform_indices = @transform_5, window_bounds = array<i64: 1, 128>}, {pipeline_mode = #tpu.pipeline_mode<synchronous>, transform_indices = @transform_6, window_bounds = array<i64: 1, 128>}, {pipeline_mode = #tpu.pipeline_mode<synchronous>, transform_indices = @transform_7, window_bounds = array<i64: 128, 128>}, {transform_indices = @transform_8, window_bounds = array<i64: 2048, 1>}, {transform_indices = @transform_9, window_bounds = array<i64: 2048, 128>}]} {
    %eq3A = arith.constant 0 : i32
    %eq3A_0 = arith.cmpi eq, %arg0, %eq3A : i32
    %convert_element_type3A = arith.extui %eq3A_0 : i1 to i32
    %cond3A = arith.constant 0 : i32
    %cond3A_1 = arith.cmpi ne, %convert_element_type3A, %cond3A : i32
    scf.if %cond3A_1 {
      %get3A = arith.constant 0 : index
      %get3A_7 = arith.constant 0 : index
      %get3A_8 = arith.constant 0 : index
      %get3A_9 = vector.load %arg2[%get3A, %get3A_7, %get3A_8] : memref<1x2048x128xf32, #tpu.memory_space<vmem>>, vector<1x2048x128xf32>
      %get3A_10 = vector.shape_cast %get3A_9 : vector<1x2048x128xf32> to vector<2048x128xf32>
      %get3A_11 = arith.constant 0 : index
      %get3A_12 = arith.constant 0 : index
      %get3A_13 = arith.constant 0 : index
      %get3A_14 = vector.load %arg3[%get3A_11, %get3A_12, %get3A_13] : memref<1x2048x128xf32, #tpu.memory_space<vmem>>, vector<1x2048x128xf32>
      %get3A_15 = vector.shape_cast %get3A_14 : vector<1x2048x128xf32> to vector<2048x128xf32>
      %add3A = arith.addf %get3A_10, %get3A_15 : vector<2048x128xf32>
      %get3A_16 = arith.constant 0 : index
      %get3A_17 = arith.constant 0 : index
      %get3A_18 = vector.load %arg4[%get3A_16, %get3A_17] : memref<2048x128xf32, #tpu.memory_space<vmem>>, vector<2048x128xf32>
      %sub3A = arith.subf %add3A, %get3A_18 : vector<2048x128xf32>
      %get3A_19 = arith.constant 0 : index
      %get3A_20 = arith.constant 0 : index
      %get3A_21 = vector.load %arg5[%get3A_19, %get3A_20] : memref<2048x1xf32, #tpu.memory_space<vmem>>, vector<2048x1xf32>
      %mul3A = vector.broadcast %get3A_21 : vector<2048x1xf32> to vector<2048x128xf32>
      %mul3A_22 = arith.mulf %sub3A, %mul3A : vector<2048x128xf32>
      %get3A_23 = arith.constant 0 : index
      %get3A_24 = arith.constant 0 : index
      %get3A_25 = vector.load %arg6[%get3A_23, %get3A_24] : memref<1x128xf32, #tpu.memory_space<vmem>>, vector<1x128xf32>
      %add3A_26 = vector.broadcast %get3A_25 : vector<1x128xf32> to vector<2048x128xf32>
      %add3A_27 = arith.addf %mul3A_22, %add3A_26 : vector<2048x128xf32>
      %mul3A_28 = arith.constant 2048 : i32
      %mul3A_29 = arith.muli %arg1, %mul3A_28 : i32
      %iota3A = tpu.iota {dimensions = array<i32: 0>} : vector<2048x1xi32>
      %add3A_30 = vector.broadcast %mul3A_29 : i32 to vector<2048x1xi32>
      %add3A_31 = arith.addi %add3A_30, %iota3A : vector<2048x1xi32>
      %lt3A = arith.constant 10000 : i32
      %lt3A_32 = vector.broadcast %lt3A : i32 to vector<2048x1xi32>
      %lt3A_33 = arith.cmpi slt, %add3A_31, %lt3A_32 : vector<2048x1xi32>
      %jit3A = arith.constant 0.000000e+00 : f32
      %broadcast_in_dim3A = vector.shape_cast %lt3A_33 : vector<2048x1xi1> to vector<2048x1xi1>
      %broadcast_in_dim3A_34 = vector.broadcast %broadcast_in_dim3A : vector<2048x1xi1> to vector<2048x128xi1>
      %broadcast_in_dim3A_35 = vector.broadcast %jit3A : f32 to vector<2048x128xf32>
      %select_n3A = arith.select %broadcast_in_dim3A_34, %add3A_27, %broadcast_in_dim3A_35 : vector<2048x128xi1>, vector<2048x128xf32>
      %mul3A_36 = arith.constant 2048 : i32
      %mul3A_37 = arith.muli %arg1, %mul3A_36 : i32
      %swap3A = arith.index_cast %mul3A_37 : i32 to index
      %swap3A_38 = arith.constant 0 : index
      %swap3A_39 = vector.load %arg13[%swap3A, %swap3A_38] : memref<10240x128xf32, #tpu.memory_space<vmem>>, vector<2048x128xf32>
      tpu.vector_store %arg13[%swap3A, %swap3A_38], %select_n3A {strides = array<i32>} : memref<10240x128xf32, #tpu.memory_space<vmem>>, vector<2048x128xf32>,
      %eq3A_40 = arith.constant 0 : i32
      %eq3A_41 = arith.cmpi eq, %arg1, %eq3A_40 : i32
      %convert_element_type3A_42 = arith.extui %eq3A_41 : i1 to i32
      %cond3A_43 = arith.constant 0 : i32
      %cond3A_44 = arith.cmpi ne, %convert_element_type3A_42, %cond3A_43 : i32
      scf.if %cond3A_44 {
        %broadcast_in_dim3A_58 = arith.constant 0.000000e+00 : f32
        %broadcast_in_dim3A_59 = vector.broadcast %broadcast_in_dim3A_58 : f32 to vector<2x128xf32>
        %swap3A_60 = arith.constant 0 : index
        %swap3A_61 = arith.constant 0 : index
        %swap3A_62 = vector.load %arg12[%swap3A_60, %swap3A_61] : memref<2x128xf32, #tpu.memory_space<vmem>>, vector<2x128xf32>
        tpu.vector_store %arg12[%swap3A_60, %swap3A_61], %broadcast_in_dim3A_59 {strides = array<i32>} : memref<2x128xf32, #tpu.memory_space<vmem>>, vector<2x128xf32>,
      } else {
      }
      %get3A_45 = arith.constant 0 : index
      %get3A_46 = arith.constant 0 : index
      %get3A_47 = vector.load %arg12[%get3A_45, %get3A_46] : memref<2x128xf32, #tpu.memory_space<vmem>>, vector<2x128xf32>
      %reduce_sum3A = arith.constant dense<0.000000e+00> : vector<128xf32>
      %reduce_sum3A_48 = vector.multi_reduction <add>, %select_n3A, %reduce_sum3A [0] : vector<2048x128xf32> to vector<128xf32>
      %broadcast_in_dim3A_49 = vector.shape_cast %reduce_sum3A_48 : vector<128xf32> to vector<1x128xf32>
      %mul3A_50 = arith.mulf %select_n3A, %select_n3A : vector<2048x128xf32>
      %reduce_sum3A_51 = arith.constant dense<0.000000e+00> : vector<128xf32>
      %reduce_sum3A_52 = vector.multi_reduction <add>, %mul3A_50, %reduce_sum3A_51 [0] : vector<2048x128xf32> to vector<128xf32>
      %broadcast_in_dim3A_53 = vector.shape_cast %reduce_sum3A_52 : vector<128xf32> to vector<1x128xf32>
      %concatenate3A = tpu.concatenate %broadcast_in_dim3A_49, %broadcast_in_dim3A_53 in 0 : vector<1x128xf32>, vector<1x128xf32> -> vector<2x128xf32>
      %add3A_54 = arith.addf %get3A_47, %concatenate3A : vector<2x128xf32>
      %swap3A_55 = arith.constant 0 : index
      %swap3A_56 = arith.constant 0 : index
      %swap3A_57 = vector.load %arg12[%swap3A_55, %swap3A_56] : memref<2x128xf32, #tpu.memory_space<vmem>>, vector<2x128xf32>
      tpu.vector_store %arg12[%swap3A_55, %swap3A_56], %add3A_54 {strides = array<i32>} : memref<2x128xf32, #tpu.memory_space<vmem>>, vector<2x128xf32>,
    } else {
    }
    %eq3A_2 = arith.constant 1 : i32
    %eq3A_3 = arith.cmpi eq, %arg0, %eq3A_2 : i32
    %convert_element_type3A_4 = arith.extui %eq3A_3 : i1 to i32
    %cond3A_5 = arith.constant 0 : i32
    %cond3A_6 = arith.cmpi ne, %convert_element_type3A_4, %cond3A_5 : i32
    scf.if %cond3A_6 {
      %mul3A = arith.constant 2048 : i32
      %mul3A_7 = arith.muli %arg1, %mul3A : i32
      %get3A = arith.index_cast %mul3A_7 : i32 to index
      %get3A_8 = arith.constant 0 : index
      %get3A_9 = vector.load %arg13[%get3A, %get3A_8] : memref<10240x128xf32, #tpu.memory_space<vmem>>, vector<2048x128xf32>
      %get3A_10 = arith.constant 0 : index
      %get3A_11 = arith.constant 0 : index
      %get3A_12 = vector.load %arg12[%get3A_10, %get3A_11] : memref<2x128xf32, #tpu.memory_space<vmem>>, vector<1x128xf32>
      %div3A = arith.constant 1.000000e+04 : f32
      %div3A_13 = vector.broadcast %div3A : f32 to vector<1x128xf32>
      %div3A_14 = arith.divf %get3A_12, %div3A_13 : vector<1x128xf32>
      %get3A_15 = arith.constant 1 : index
      %get3A_16 = arith.constant 0 : index
      %get3A_17 = vector.load %arg12[%get3A_15, %get3A_16] : memref<2x128xf32, #tpu.memory_space<vmem>>, vector<1x128xf32>
      %div3A_18 = arith.constant 1.000000e+04 : f32
      %div3A_19 = vector.broadcast %div3A_18 : f32 to vector<1x128xf32>
      %div3A_20 = arith.divf %get3A_17, %div3A_19 : vector<1x128xf32>
      %mul3A_21 = arith.mulf %div3A_14, %div3A_14 : vector<1x128xf32>
      %sub3A = arith.subf %div3A_20, %mul3A_21 : vector<1x128xf32>
      %get3A_22 = arith.constant 0 : index
      %get3A_23 = arith.constant 0 : index
      %get3A_24 = vector.load %arg7[%get3A_22, %get3A_23] : memref<1x128xf32, #tpu.memory_space<vmem>>, vector<1x128xf32>
      %add3A = arith.constant 9.99999974E-6 : f32
      %add3A_25 = vector.broadcast %add3A : f32 to vector<1x128xf32>
      %add3A_26 = arith.addf %sub3A, %add3A_25 : vector<1x128xf32>
      %rsqrt3A = math.rsqrt %add3A_26 : vector<1x128xf32>
      %mul3A_27 = arith.mulf %get3A_24, %rsqrt3A : vector<1x128xf32>
      %get3A_28 = arith.constant 0 : index
      %get3A_29 = arith.constant 0 : index
      %get3A_30 = vector.load %arg8[%get3A_28, %get3A_29] : memref<1x128xf32, #tpu.memory_space<vmem>>, vector<1x128xf32>
      %mul3A_31 = arith.mulf %div3A_14, %mul3A_27 : vector<1x128xf32>
      %sub3A_32 = arith.subf %get3A_30, %mul3A_31 : vector<1x128xf32>
      %mul3A_33 = vector.broadcast %mul3A_27 : vector<1x128xf32> to vector<2048x128xf32>
      %mul3A_34 = arith.mulf %get3A_9, %mul3A_33 : vector<2048x128xf32>
      %add3A_35 = vector.broadcast %sub3A_32 : vector<1x128xf32> to vector<2048x128xf32>
      %add3A_36 = arith.addf %mul3A_34, %add3A_35 : vector<2048x128xf32>
      %ge3A = arith.constant 0.000000e+00 : f32
      %ge3A_37 = vector.broadcast %ge3A : f32 to vector<2048x128xf32>
      %ge3A_38 = arith.cmpf oge, %add3A_36, %ge3A_37 : vector<2048x128xf32>
      %mul3A_39 = arith.constant 2.000000e-01 : f32
      %mul3A_40 = vector.broadcast %mul3A_39 : f32 to vector<2048x128xf32>
      %mul3A_41 = arith.mulf %mul3A_40, %add3A_36 : vector<2048x128xf32>
      %select_n3A = arith.select %ge3A_38, %add3A_36, %mul3A_41 : vector<2048x128xi1>, vector<2048x128xf32>
      %convert_element_type3A_42 = arith.truncf %select_n3A : vector<2048x128xf32> to vector<2048x128xbf16>
      %get3A_43 = arith.constant 0 : index
      %get3A_44 = arith.constant 0 : index
      %get3A_45 = vector.load %arg9[%get3A_43, %get3A_44] : memref<128x128xf32, #tpu.memory_space<vmem>>, vector<128x128xf32>
      %convert_element_type3A_46 = arith.truncf %get3A_45 : vector<128x128xf32> to vector<128x128xbf16>
      %dot_general3A = arith.constant dense<0.000000e+00> : vector<2048x128xf32>
      %dot_general3A_47 = tpu.matmul %convert_element_type3A_42, %convert_element_type3A_46, %dot_general3A {dimension_numbers = #tpu.dot_dimension_numbers<[1], [1], [0], [0], [0, 0, 1, 0], [], []>, transpose_lhs_hint = false} : vector<2048x128xbf16>, vector<128x128xbf16>, vector<2048x128xf32> -> vector<2048x128xf32>
      %get3A_48 = arith.constant 0 : index
      %get3A_49 = arith.constant 0 : index
      %get3A_50 = vector.load %arg10[%get3A_48, %get3A_49] : memref<2048x1xf32, #tpu.memory_space<vmem>>, vector<2048x1xf32>
      %mul3A_51 = vector.broadcast %get3A_50 : vector<2048x1xf32> to vector<2048x128xf32>
      %mul3A_52 = arith.mulf %dot_general3A_47, %mul3A_51 : vector<2048x128xf32>
      %swap3A = arith.constant 0 : index
      %swap3A_53 = arith.constant 0 : index
      %swap3A_54 = vector.load %arg11[%swap3A, %swap3A_53] : memref<2048x128xf32, #tpu.memory_space<vmem>>, vector<2048x128xf32>
      tpu.vector_store %arg11[%swap3A, %swap3A_53], %mul3A_52 {strides = array<i32>} : memref<2048x128xf32, #tpu.memory_space<vmem>>, vector<2048x128xf32>,
    } else {
    }
    return
  }
  func.func @transform_0(%arg0: i32, %arg1: i32) -> (i32, i32, i32) {
    %sub3A = arith.constant 1 : i32
    %sub3A_0 = arith.subi %sub3A, %arg0 : i32
    %mul3A = arith.muli %sub3A_0, %arg1 : i32
    %c0_i32 = arith.constant 0 : i32
    %c0_i32_1 = arith.constant 0 : i32
    %c0_i32_2 = arith.constant 0 : i32
    return %c0_i32, %mul3A, %c0_i32_1 : i32, i32, i32
  }
  func.func @transform_1(%arg0: i32, %arg1: i32) -> (i32, i32, i32) {
    %sub3A = arith.constant 1 : i32
    %sub3A_0 = arith.subi %sub3A, %arg0 : i32
    %mul3A = arith.muli %sub3A_0, %arg1 : i32
    %c1_i32 = arith.constant 1 : i32
    %c0_i32 = arith.constant 0 : i32
    %c0_i32_1 = arith.constant 0 : i32
    return %c1_i32, %mul3A, %c0_i32 : i32, i32, i32
  }
  func.func @transform_2(%arg0: i32, %arg1: i32) -> (i32, i32) {
    %sub3A = arith.constant 1 : i32
    %sub3A_0 = arith.subi %sub3A, %arg0 : i32
    %mul3A = arith.muli %sub3A_0, %arg1 : i32
    %c0_i32 = arith.constant 0 : i32
    %c0_i32_1 = arith.constant 0 : i32
    return %mul3A, %c0_i32 : i32, i32
  }
  func.func @transform_3(%arg0: i32, %arg1: i32) -> (i32, i32) {
    %sub3A = arith.constant 1 : i32
    %sub3A_0 = arith.subi %sub3A, %arg0 : i32
    %mul3A = arith.muli %sub3A_0, %arg1 : i32
    %c0_i32 = arith.constant 0 : i32
    %c0_i32_1 = arith.constant 0 : i32
    return %mul3A, %c0_i32 : i32, i32
  }
  func.func @transform_4(%arg0: i32, %arg1: i32) -> (i32, i32) {
    %c0_i32 = arith.constant 0 : i32
    %c0_i32_0 = arith.constant 0 : i32
    %c0_i32_1 = arith.constant 0 : i32
    return %c0_i32, %c0_i32_0 : i32, i32
  }
  func.func @transform_5(%arg0: i32, %arg1: i32) -> (i32, i32) {
    %c0_i32 = arith.constant 0 : i32
    %c0_i32_0 = arith.constant 0 : i32
    %c0_i32_1 = arith.constant 0 : i32
    return %c0_i32, %c0_i32_0 : i32, i32
  }
  func.func @transform_6(%arg0: i32, %arg1: i32) -> (i32, i32) {
    %c0_i32 = arith.constant 0 : i32
    %c0_i32_0 = arith.constant 0 : i32
    %c0_i32_1 = arith.constant 0 : i32
    return %c0_i32, %c0_i32_0 : i32, i32
  }
  func.func @transform_7(%arg0: i32, %arg1: i32) -> (i32, i32) {
    %c0_i32 = arith.constant 0 : i32
    %c0_i32_0 = arith.constant 0 : i32
    %c0_i32_1 = arith.constant 0 : i32
    return %c0_i32, %c0_i32_0 : i32, i32
  }
  func.func @transform_8(%arg0: i32, %arg1: i32) -> (i32, i32) {
    %c0_i32 = arith.constant 0 : i32
    %c0_i32_0 = arith.constant 0 : i32
    return %arg1, %c0_i32 : i32, i32
  }
  func.func @transform_9(%arg0: i32, %arg1: i32) -> (i32, i32) {
    %mul3A = arith.muli %arg0, %arg1 : i32
    %c0_i32 = arith.constant 0 : i32
    %c0_i32_0 = arith.constant 0 : i32
    return %mul3A, %c0_i32 : i32, i32
  }
}

module attributes {stable_mosaic.version = 14 : i64} {
  func.func @_fused_body(%arg0: i32, %arg1: i32, %arg2: memref<1x2000x128xf32, #tpu.memory_space<vmem>>, %arg3: memref<1x2000x128xf32, #tpu.memory_space<vmem>>, %arg4: memref<2000x128xf32, #tpu.memory_space<vmem>>, %arg5: memref<2000x1xf32, #tpu.memory_space<vmem>>, %arg6: memref<1x128xf32, #tpu.memory_space<vmem>>, %arg7: memref<1x128xf32, #tpu.memory_space<vmem>>, %arg8: memref<1x128xf32, #tpu.memory_space<vmem>>, %arg9: memref<128x128xf32, #tpu.memory_space<vmem>>, %arg10: memref<1x128xf32, #tpu.memory_space<vmem>>, %arg11: memref<2000x128xf32, #tpu.memory_space<vmem>>, %arg12: memref<2x128xf32, #tpu.memory_space<vmem>>, %arg13: memref<10000x128xf32, #tpu.memory_space<vmem>>) attributes {dimension_semantics = [#tpu.dimension_semantics<arbitrary>, #tpu.dimension_semantics<arbitrary>], iteration_bounds = array<i64: 2, 5>, scalar_prefetch = 0 : i64, scratch_operands = 2 : i64, tpu.core_type = #tpu.core_type<tc>, window_params = [{transform_indices = @transform_0, window_bounds = array<i64: 1, 2000, 128>}, {transform_indices = @transform_1, window_bounds = array<i64: 1, 2000, 128>}, {transform_indices = @transform_2, window_bounds = array<i64: 2000, 128>}, {transform_indices = @transform_3, window_bounds = array<i64: 2000, 1>}, {pipeline_mode = #tpu.pipeline_mode<synchronous>, transform_indices = @transform_4, window_bounds = array<i64: 1, 128>}, {pipeline_mode = #tpu.pipeline_mode<synchronous>, transform_indices = @transform_5, window_bounds = array<i64: 1, 128>}, {pipeline_mode = #tpu.pipeline_mode<synchronous>, transform_indices = @transform_6, window_bounds = array<i64: 1, 128>}, {pipeline_mode = #tpu.pipeline_mode<synchronous>, transform_indices = @transform_7, window_bounds = array<i64: 128, 128>}, {pipeline_mode = #tpu.pipeline_mode<synchronous>, transform_indices = @transform_8, window_bounds = array<i64: 1, 128>}, {transform_indices = @transform_9, window_bounds = array<i64: 2000, 128>}]} {
    %eq3A = arith.constant 0 : i32
    %eq3A_0 = arith.cmpi eq, %arg0, %eq3A : i32
    %convert_element_type3A = arith.extui %eq3A_0 : i1 to i32
    %cond3A = arith.constant 0 : i32
    %cond3A_1 = arith.cmpi ne, %convert_element_type3A, %cond3A : i32
    scf.if %cond3A_1 {
      %get3A = arith.constant 0 : index
      %get3A_7 = arith.constant 0 : index
      %get3A_8 = arith.constant 0 : index
      %get3A_9 = vector.load %arg2[%get3A, %get3A_7, %get3A_8] : memref<1x2000x128xf32, #tpu.memory_space<vmem>>, vector<1x2000x128xf32>
      %get3A_10 = vector.shape_cast %get3A_9 : vector<1x2000x128xf32> to vector<2000x128xf32>
      %get3A_11 = arith.constant 0 : index
      %get3A_12 = arith.constant 0 : index
      %get3A_13 = arith.constant 0 : index
      %get3A_14 = vector.load %arg3[%get3A_11, %get3A_12, %get3A_13] : memref<1x2000x128xf32, #tpu.memory_space<vmem>>, vector<1x2000x128xf32>
      %get3A_15 = vector.shape_cast %get3A_14 : vector<1x2000x128xf32> to vector<2000x128xf32>
      %add3A = arith.addf %get3A_10, %get3A_15 : vector<2000x128xf32>
      %get3A_16 = arith.constant 0 : index
      %get3A_17 = arith.constant 0 : index
      %get3A_18 = vector.load %arg4[%get3A_16, %get3A_17] : memref<2000x128xf32, #tpu.memory_space<vmem>>, vector<2000x128xf32>
      %sub3A = arith.subf %add3A, %get3A_18 : vector<2000x128xf32>
      %get3A_19 = arith.constant 0 : index
      %get3A_20 = arith.constant 0 : index
      %get3A_21 = vector.load %arg5[%get3A_19, %get3A_20] : memref<2000x1xf32, #tpu.memory_space<vmem>>, vector<2000x1xf32>
      %mul3A = vector.broadcast %get3A_21 : vector<2000x1xf32> to vector<2000x128xf32>
      %mul3A_22 = arith.mulf %sub3A, %mul3A : vector<2000x128xf32>
      %get3A_23 = arith.constant 0 : index
      %get3A_24 = arith.constant 0 : index
      %get3A_25 = vector.load %arg6[%get3A_23, %get3A_24] : memref<1x128xf32, #tpu.memory_space<vmem>>, vector<1x128xf32>
      %add3A_26 = vector.broadcast %get3A_25 : vector<1x128xf32> to vector<2000x128xf32>
      %add3A_27 = arith.addf %mul3A_22, %add3A_26 : vector<2000x128xf32>
      %mul3A_28 = arith.constant 2000 : i32
      %mul3A_29 = arith.muli %arg1, %mul3A_28 : i32
      %swap3A = arith.index_cast %mul3A_29 : i32 to index
      %swap3A_30 = arith.constant 0 : index
      %swap3A_31 = vector.load %arg13[%swap3A, %swap3A_30] : memref<10000x128xf32, #tpu.memory_space<vmem>>, vector<2000x128xf32>
      tpu.vector_store %arg13[%swap3A, %swap3A_30], %add3A_27 {strides = array<i32>} : memref<10000x128xf32, #tpu.memory_space<vmem>>, vector<2000x128xf32>,
      %eq3A_32 = arith.constant 0 : i32
      %eq3A_33 = arith.cmpi eq, %arg1, %eq3A_32 : i32
      %convert_element_type3A_34 = arith.extui %eq3A_33 : i1 to i32
      %cond3A_35 = arith.constant 0 : i32
      %cond3A_36 = arith.cmpi ne, %convert_element_type3A_34, %cond3A_35 : i32
      scf.if %cond3A_36 {
        %broadcast_in_dim3A_49 = arith.constant 0.000000e+00 : f32
        %broadcast_in_dim3A_50 = vector.broadcast %broadcast_in_dim3A_49 : f32 to vector<2x128xf32>
        %swap3A_51 = arith.constant 0 : index
        %swap3A_52 = arith.constant 0 : index
        %swap3A_53 = vector.load %arg12[%swap3A_51, %swap3A_52] : memref<2x128xf32, #tpu.memory_space<vmem>>, vector<2x128xf32>
        tpu.vector_store %arg12[%swap3A_51, %swap3A_52], %broadcast_in_dim3A_50 {strides = array<i32>} : memref<2x128xf32, #tpu.memory_space<vmem>>, vector<2x128xf32>,
      } else {
      }
      %get3A_37 = arith.constant 0 : index
      %get3A_38 = arith.constant 0 : index
      %get3A_39 = vector.load %arg12[%get3A_37, %get3A_38] : memref<2x128xf32, #tpu.memory_space<vmem>>, vector<2x128xf32>
      %reduce_sum3A = arith.constant dense<0.000000e+00> : vector<128xf32>
      %reduce_sum3A_40 = vector.multi_reduction <add>, %add3A_27, %reduce_sum3A [0] : vector<2000x128xf32> to vector<128xf32>
      %broadcast_in_dim3A = vector.shape_cast %reduce_sum3A_40 : vector<128xf32> to vector<1x128xf32>
      %mul3A_41 = arith.mulf %add3A_27, %add3A_27 : vector<2000x128xf32>
      %reduce_sum3A_42 = arith.constant dense<0.000000e+00> : vector<128xf32>
      %reduce_sum3A_43 = vector.multi_reduction <add>, %mul3A_41, %reduce_sum3A_42 [0] : vector<2000x128xf32> to vector<128xf32>
      %broadcast_in_dim3A_44 = vector.shape_cast %reduce_sum3A_43 : vector<128xf32> to vector<1x128xf32>
      %concatenate3A = tpu.concatenate %broadcast_in_dim3A, %broadcast_in_dim3A_44 in 0 : vector<1x128xf32>, vector<1x128xf32> -> vector<2x128xf32>
      %add3A_45 = arith.addf %get3A_39, %concatenate3A : vector<2x128xf32>
      %swap3A_46 = arith.constant 0 : index
      %swap3A_47 = arith.constant 0 : index
      %swap3A_48 = vector.load %arg12[%swap3A_46, %swap3A_47] : memref<2x128xf32, #tpu.memory_space<vmem>>, vector<2x128xf32>
      tpu.vector_store %arg12[%swap3A_46, %swap3A_47], %add3A_45 {strides = array<i32>} : memref<2x128xf32, #tpu.memory_space<vmem>>, vector<2x128xf32>,
    } else {
    }
    %eq3A_2 = arith.constant 1 : i32
    %eq3A_3 = arith.cmpi eq, %arg0, %eq3A_2 : i32
    %convert_element_type3A_4 = arith.extui %eq3A_3 : i1 to i32
    %cond3A_5 = arith.constant 0 : i32
    %cond3A_6 = arith.cmpi ne, %convert_element_type3A_4, %cond3A_5 : i32
    scf.if %cond3A_6 {
      %mul3A = arith.constant 2000 : i32
      %mul3A_7 = arith.muli %arg1, %mul3A : i32
      %get3A = arith.index_cast %mul3A_7 : i32 to index
      %get3A_8 = arith.constant 0 : index
      %get3A_9 = vector.load %arg13[%get3A, %get3A_8] : memref<10000x128xf32, #tpu.memory_space<vmem>>, vector<2000x128xf32>
      %get3A_10 = arith.constant 0 : index
      %get3A_11 = arith.constant 0 : index
      %get3A_12 = vector.load %arg12[%get3A_10, %get3A_11] : memref<2x128xf32, #tpu.memory_space<vmem>>, vector<1x128xf32>
      %div3A = arith.constant 1.000000e+04 : f32
      %div3A_13 = vector.broadcast %div3A : f32 to vector<1x128xf32>
      %div3A_14 = arith.divf %get3A_12, %div3A_13 : vector<1x128xf32>
      %get3A_15 = arith.constant 1 : index
      %get3A_16 = arith.constant 0 : index
      %get3A_17 = vector.load %arg12[%get3A_15, %get3A_16] : memref<2x128xf32, #tpu.memory_space<vmem>>, vector<1x128xf32>
      %div3A_18 = arith.constant 1.000000e+04 : f32
      %div3A_19 = vector.broadcast %div3A_18 : f32 to vector<1x128xf32>
      %div3A_20 = arith.divf %get3A_17, %div3A_19 : vector<1x128xf32>
      %mul3A_21 = arith.mulf %div3A_14, %div3A_14 : vector<1x128xf32>
      %sub3A = arith.subf %div3A_20, %mul3A_21 : vector<1x128xf32>
      %get3A_22 = arith.constant 0 : index
      %get3A_23 = arith.constant 0 : index
      %get3A_24 = vector.load %arg7[%get3A_22, %get3A_23] : memref<1x128xf32, #tpu.memory_space<vmem>>, vector<1x128xf32>
      %add3A = arith.constant 9.99999974E-6 : f32
      %add3A_25 = vector.broadcast %add3A : f32 to vector<1x128xf32>
      %add3A_26 = arith.addf %sub3A, %add3A_25 : vector<1x128xf32>
      %rsqrt3A = math.rsqrt %add3A_26 : vector<1x128xf32>
      %mul3A_27 = arith.mulf %get3A_24, %rsqrt3A : vector<1x128xf32>
      %get3A_28 = arith.constant 0 : index
      %get3A_29 = arith.constant 0 : index
      %get3A_30 = vector.load %arg8[%get3A_28, %get3A_29] : memref<1x128xf32, #tpu.memory_space<vmem>>, vector<1x128xf32>
      %mul3A_31 = arith.mulf %div3A_14, %mul3A_27 : vector<1x128xf32>
      %sub3A_32 = arith.subf %get3A_30, %mul3A_31 : vector<1x128xf32>
      %mul3A_33 = vector.broadcast %mul3A_27 : vector<1x128xf32> to vector<2000x128xf32>
      %mul3A_34 = arith.mulf %get3A_9, %mul3A_33 : vector<2000x128xf32>
      %add3A_35 = vector.broadcast %sub3A_32 : vector<1x128xf32> to vector<2000x128xf32>
      %add3A_36 = arith.addf %mul3A_34, %add3A_35 : vector<2000x128xf32>
      %ge3A = arith.constant 0.000000e+00 : f32
      %ge3A_37 = vector.broadcast %ge3A : f32 to vector<2000x128xf32>
      %ge3A_38 = arith.cmpf oge, %add3A_36, %ge3A_37 : vector<2000x128xf32>
      %mul3A_39 = arith.constant 2.000000e-01 : f32
      %mul3A_40 = vector.broadcast %mul3A_39 : f32 to vector<2000x128xf32>
      %mul3A_41 = arith.mulf %mul3A_40, %add3A_36 : vector<2000x128xf32>
      %select_n3A = arith.select %ge3A_38, %add3A_36, %mul3A_41 : vector<2000x128xi1>, vector<2000x128xf32>
      %convert_element_type3A_42 = arith.truncf %select_n3A : vector<2000x128xf32> to vector<2000x128xbf16>
      %get3A_43 = arith.constant 0 : index
      %get3A_44 = arith.constant 0 : index
      %get3A_45 = vector.load %arg9[%get3A_43, %get3A_44] : memref<128x128xf32, #tpu.memory_space<vmem>>, vector<128x128xf32>
      %convert_element_type3A_46 = arith.truncf %get3A_45 : vector<128x128xf32> to vector<128x128xbf16>
      %dot_general3A = arith.constant dense<0.000000e+00> : vector<2000x128xf32>
      %dot_general3A_47 = tpu.matmul %convert_element_type3A_42, %convert_element_type3A_46, %dot_general3A {dimension_numbers = #tpu.dot_dimension_numbers<[1], [1], [0], [0], [0, 0, 1, 0], [], []>, transpose_lhs_hint = false} : vector<2000x128xbf16>, vector<128x128xbf16>, vector<2000x128xf32> -> vector<2000x128xf32>
      %get3A_48 = arith.constant 0 : index
      %get3A_49 = arith.constant 0 : index
      %get3A_50 = vector.load %arg10[%get3A_48, %get3A_49] : memref<1x128xf32, #tpu.memory_space<vmem>>, vector<1x128xf32>
      %add3A_51 = vector.broadcast %get3A_50 : vector<1x128xf32> to vector<2000x128xf32>
      %add3A_52 = arith.addf %dot_general3A_47, %add3A_51 : vector<2000x128xf32>
      %swap3A = arith.constant 0 : index
      %swap3A_53 = arith.constant 0 : index
      %swap3A_54 = vector.load %arg11[%swap3A, %swap3A_53] : memref<2000x128xf32, #tpu.memory_space<vmem>>, vector<2000x128xf32>
      tpu.vector_store %arg11[%swap3A, %swap3A_53], %add3A_52 {strides = array<i32>} : memref<2000x128xf32, #tpu.memory_space<vmem>>, vector<2000x128xf32>,
    } else {
    }
    return
  }
  func.func @transform_0(%arg0: i32, %arg1: i32) -> (i32, i32, i32) {
    %sub3A = arith.constant 1 : i32
    %sub3A_0 = arith.subi %sub3A, %arg0 : i32
    %mul3A = arith.muli %sub3A_0, %arg1 : i32
    %c0_i32 = arith.constant 0 : i32
    %c0_i32_1 = arith.constant 0 : i32
    %c0_i32_2 = arith.constant 0 : i32
    return %c0_i32, %mul3A, %c0_i32_1 : i32, i32, i32
  }
  func.func @transform_1(%arg0: i32, %arg1: i32) -> (i32, i32, i32) {
    %sub3A = arith.constant 1 : i32
    %sub3A_0 = arith.subi %sub3A, %arg0 : i32
    %mul3A = arith.muli %sub3A_0, %arg1 : i32
    %c1_i32 = arith.constant 1 : i32
    %c0_i32 = arith.constant 0 : i32
    %c0_i32_1 = arith.constant 0 : i32
    return %c1_i32, %mul3A, %c0_i32 : i32, i32, i32
  }
  func.func @transform_2(%arg0: i32, %arg1: i32) -> (i32, i32) {
    %sub3A = arith.constant 1 : i32
    %sub3A_0 = arith.subi %sub3A, %arg0 : i32
    %mul3A = arith.muli %sub3A_0, %arg1 : i32
    %c0_i32 = arith.constant 0 : i32
    %c0_i32_1 = arith.constant 0 : i32
    return %mul3A, %c0_i32 : i32, i32
  }
  func.func @transform_3(%arg0: i32, %arg1: i32) -> (i32, i32) {
    %sub3A = arith.constant 1 : i32
    %sub3A_0 = arith.subi %sub3A, %arg0 : i32
    %mul3A = arith.muli %sub3A_0, %arg1 : i32
    %c0_i32 = arith.constant 0 : i32
    %c0_i32_1 = arith.constant 0 : i32
    return %mul3A, %c0_i32 : i32, i32
  }
  func.func @transform_4(%arg0: i32, %arg1: i32) -> (i32, i32) {
    %c0_i32 = arith.constant 0 : i32
    %c0_i32_0 = arith.constant 0 : i32
    %c0_i32_1 = arith.constant 0 : i32
    return %c0_i32, %c0_i32_0 : i32, i32
  }
  func.func @transform_5(%arg0: i32, %arg1: i32) -> (i32, i32) {
    %c0_i32 = arith.constant 0 : i32
    %c0_i32_0 = arith.constant 0 : i32
    %c0_i32_1 = arith.constant 0 : i32
    return %c0_i32, %c0_i32_0 : i32, i32
  }
  func.func @transform_6(%arg0: i32, %arg1: i32) -> (i32, i32) {
    %c0_i32 = arith.constant 0 : i32
    %c0_i32_0 = arith.constant 0 : i32
    %c0_i32_1 = arith.constant 0 : i32
    return %c0_i32, %c0_i32_0 : i32, i32
  }
  func.func @transform_7(%arg0: i32, %arg1: i32) -> (i32, i32) {
    %c0_i32 = arith.constant 0 : i32
    %c0_i32_0 = arith.constant 0 : i32
    %c0_i32_1 = arith.constant 0 : i32
    return %c0_i32, %c0_i32_0 : i32, i32
  }
  func.func @transform_8(%arg0: i32, %arg1: i32) -> (i32, i32) {
    %c0_i32 = arith.constant 0 : i32
    %c0_i32_0 = arith.constant 0 : i32
    %c0_i32_1 = arith.constant 0 : i32
    return %c0_i32, %c0_i32_0 : i32, i32
  }
  func.func @transform_9(%arg0: i32, %arg1: i32) -> (i32, i32) {
    %mul3A = arith.muli %arg0, %arg1 : i32
    %c0_i32 = arith.constant 0 : i32
    %c0_i32_0 = arith.constant 0 : i32
    return %mul3A, %c0_i32 : i32, i32
  }
}

</mosaic_0001>

<sc_bundles>
// kernel: kernel.11.cloned.1.call-start
scs
__scs_entry_jumppad:
0x0: {  	(pc) =	sbr.rel $0x88, $3  }
0x1: {  	(tag) =	ssettag $0x0;
	lr =	simm.s32 $0x1  }
0x2: {  	[smem:$0x3F97] =	sst lr;
	_ =	strace $0xD0000000  }
0x3: {  	_ = 	snop  }
0x4: {  	_ = 	snop  }
0x5: {  	_ = 	snop  }
0x6: {  	_ = 	snop  }
0x7: {  	_ = 	snop  }
__scs_overlays_trampoline_lowered:
0x8: {  	[smem:$0x3FA6] =	sst s0  }
0x9: {  	[smem:$0x3FA7] =	sst s1  }
0xa: {  	[smem:$0x3FA8] =	sst s2  }
0xb: {  	[smem:$0x3FA9] =	sst s3  }
0xc: {  	[smem:$0x3FAA] =	sst s4  }
0xd: {  	[smem:$0x3FAB] =	sst s5  }
0xe: {  	[smem:$0x3FAC] =	sst s6  }
0xf: {  	[smem:$0x3FAD] =	sst s7  }
0x10: {  	[smem:$0x3FAE] =	sst s8  }
0x11: {  	[smem:$0x3FAF] =	sst s9;
	s0 =	simm.s32 @!p0 $0x0  }
0x12: {  	s1 =	sld [smem:$0x3F95];
	s0 =	simm.s32 @p0 $0x1  }
0x13: {  	[smem:$0x3FB0] =	sst s0;
	s0 =	simm.s32 @!p1 $0x0  }
0x14: {  	s2 =	sld [smem:$0x3F94];
	s0 =	simm.s32 @p1 $0x1  }
0x15: {  	[smem:$0x3FB1] =	sst s0;
	s0 =	simm.s32 @!p2 $0x0  }
0x16: {  	s3 =	sld [smem:$0x3FDB];
	s0 =	simm.s32 @p2 $0x1  }
0x17: {  	s4 =	simm.s32 $0x1BF5;
	[smem:$0x3FB3] =	sst s0  }
0x18: {  	s0 =	sld [smem:$0x3F96];
	_ =	swait.ge [sflag:s4], $0x0  }
0x19: {  	s7 =	sld [smem:$0x3F97]  }
0x1a: {  	s8 =	sadd.s32 $0xFFFFE003, lr  }
0x1b: {  	s9 =	sadd.s32 $0xFFFFFEF7, lr;
	s5 =	simm.s32 $0xFFFFFFFF;
	p2 =	slt.u32 s8, $0xFFFFF086  }
0x1c: {  	p1 =	slt.u32 s9, $0xF7A;
	s5 =	simm.s32 @!p2 $0x0  }
0x1d: {  	s5 =	simm.s32 @p1 $0x1;
	p0 =	seq.s32 s7, s2  }
0x1e: {  	s7 =	smul.u32 @!p0 $0xF7A, s2;
	p2 =	seq.s32 @!p0 s5, $0x0  }
0x1f: {  	s9 =	smul.u32 $0xF7A, s1;
	s8 =	simm.s32 @!p0 $0x1BF5;
	p2 =	por !p2, p0  }
0x20: {  	[sflag:s8] =	ssyncset.s32 @!p0 $0xFFFFF086;
	s6 =	sadd.s32 @!p0 s3, s7;
	s7 =	simm.s32 @!p0 $0x108  }
0x21: {  	s3 =	sadd.s32 s3, s9;
	s6 =	sadd.s32 @!p0 $0x88, s6;
	s7 =	simm.s32 @p2 $0x1082  }
0x22: {  	[simem:s7], [sflag:s8] =	dma.local @!p0 [hbm:s6], $0xF7A  }
0x23: {  	s9 =	sor.u32 $0xD0000000, s2;
	s6 =	simm.s32 $0x108;
	_ =	swait.ge @!p0 [sflag:s8], $0x0  }
0x24: {  	s3 =	sadd.s32 $0x88, s3;
	s6 =	simm.s32 @!p1 $0x1082;
	[sflag:s4] =	ssyncset.s32 $0xFFFFF086  }
0x25: {  	[simem:s6], [sflag:s4] =	dma.local [hbm:s3], $0xF7A  }
0x26: {  	[smem:$0x3F97] =	sst s1;
	(tag) =	ssettag s2;
	_ =	strace s9  }
0x27: {  	s1 =	sld [smem:$0x3FA7]  }
0x28: {  	s2 =	sld [smem:$0x3FA8]  }
0x29: {  	s4 =	sld [smem:$0x3FAA]  }
0x2a: {  	p0 =	seq.s32 s5, $0x0;
	s5 =	sld [smem:$0x3FAB]  }
0x2b: {  	s6 =	sld [smem:$0x3FAC]  }
0x2c: {  	s7 =	sld [smem:$0x3FAD]  }
0x2d: {  	s3 =	simm.s32 $0x108;
	s8 =	sld [smem:$0x3FAE]  }
0x2e: {  	s3 =	simm.s32 @!p0 $0x1082;
	s9 =	sld [smem:$0x3FAF]  }
0x2f: {  	lr =	sadd.s32 s0, s3;
	s0 =	sld [smem:$0x3FA6]  }
0x30: {  	s3 =	sld [smem:$0x3FA9]  }
0x31: {  	[smem:$0x3FB2] =	sst s10  }
0x32: {  	s10 =	sld [smem:$0x3FB0];
	_ =	sdelay $0x3  }
0x33: {  	p0 =	seq.s32 s10, $0x1;
	s10 =	sld [smem:$0x3FB2];
	_ =	sdelay $0x3  }
0x34: {  	[smem:$0x3FB2] =	sst s10  }
0x35: {  	s10 =	sld [smem:$0x3FB1];
	_ =	sdelay $0x3  }
0x36: {  	p1 =	seq.s32 s10, $0x1;
	s10 =	sld [smem:$0x3FB2];
	_ =	sdelay $0x3  }
0x37: {  	[smem:$0x3FB2] =	sst s10  }
0x38: {  	s10 =	sld [smem:$0x3FB3]  }
0x39: {  	_ = 	snop;
	(pc) =	sbr.ind lr, $3  }
0x3a: {  	_ = 	snop  }
0x3b: {  	_ = 	snop  }
0x3c: {  	p2 =	seq.s32 s10, $0x1;
	s10 =	sld [smem:$0x3FB2]  }
0x3d: {  	_ =	shalt  }
0x3e: {  	_ =	shalt  }
0x3f: {  	_ =	shalt  }
0x40: {  	_ =	shalt  }
0x41: {  	_ =	shalt  }
0x42: {  	_ =	shalt  }
0x43: {  	_ =	shalt  }
0x44: {  	_ =	shalt  }
0x45: {  	_ =	shalt  }
0x46: {  	_ =	shalt  }
0x47: {  	_ =	shalt  }
0x48: {  	_ =	shalt  }
0x49: {  	_ =	shalt  }
0x4a: {  	_ =	shalt  }
0x4b: {  	_ =	shalt  }
0x4c: {  	_ =	shalt  }
0x4d: {  	_ =	shalt  }
0x4e: {  	_ =	shalt  }
0x4f: {  	_ =	shalt  }
0x50: {  	_ =	shalt  }
0x51: {  	_ =	shalt  }
0x52: {  	_ =	shalt  }
0x53: {  	_ =	shalt  }
0x54: {  	_ =	shalt  }
0x55: {  	_ =	shalt  }
0x56: {  	_ =	shalt  }
0x57: {  	_ =	shalt  }
0x58: {  	_ =	shalt  }
0x59: {  	_ =	shalt  }
0x5a: {  	_ =	shalt  }
0x5b: {  	_ =	shalt  }
0x5c: {  	_ =	shalt  }
0x5d: {  	_ =	shalt  }
0x5e: {  	_ =	shalt  }
0x5f: {  	_ =	shalt  }
0x60: {  	_ =	shalt  }
0x61: {  	_ =	shalt  }
0x62: {  	_ =	shalt  }
0x63: {  	_ =	shalt  }
0x64: {  	_ =	shalt  }
0x65: {  	_ =	shalt  }
0x66: {  	_ =	shalt  }
0x67: {  	_ =	shalt  }
0x68: {  	_ =	shalt  }
0x69: {  	_ =	shalt  }
0x6a: {  	_ =	shalt  }
0x6b: {  	_ =	shalt  }
0x6c: {  	_ =	shalt  }
0x6d: {  	_ =	shalt  }
0x6e: {  	_ =	shalt  }
0x6f: {  	_ =	shalt  }
0x70: {  	_ =	shalt  }
0x71: {  	_ =	shalt  }
0x72: {  	_ =	shalt  }
0x73: {  	_ =	shalt  }
0x74: {  	_ =	shalt  }
0x75: {  	_ =	shalt  }
0x76: {  	_ =	shalt  }
0x77: {  	_ =	shalt  }
0x78: {  	_ =	shalt  }
0x79: {  	_ =	shalt  }
0x7a: {  	_ =	shalt  }
0x7b: {  	_ =	shalt  }
0x7c: {  	_ =	shalt  }
0x7d: {  	_ =	shalt  }
0x7e: {  	_ =	shalt  }
0x7f: {  	_ =	shalt  }
0x80: {  	_ =	shalt  }
0x81: {  	_ =	shalt  }
0x82: {  	_ =	shalt  }
0x83: {  	_ =	shalt  }
0x84: {  	_ =	shalt  }
0x85: {  	_ =	shalt  }
0x86: {  	_ =	shalt  }
0x87: {  	_ =	shalt  }
.Lfunc_end0:
.L_simem_size_0:
called_computation.1_lowered:
.L_overlay_start_0:
0x88: {  	s2 =	sld [smem:$0x3FD9]  }
0x89: {  	s3 =	sld [smem:$0x3FFE];
	_ =	sdelay $0x1  }
0x8a: {  	s1 =	srdreg.scid  }
0x8b: {  	s0 =	sand.u32 $0x1, s1  }
0x8c: {  	s17 =	sshll.u32 s0, $0xA;
	s2 =	sadd.s32 s3, s2  }
0x8d: {  	s2 =	sadd.s32 s2, s17  }
0x8e: {  	[smem:$0x3FBE] =	sst s2  }
0x8f: {  	_ = 	snop  }
0x90: {  	s2 =	sld [smem:$0x3FD0];
	(tm) =	ssettm $0x1  }
0x91: {  	s18 =	sld [smem:$0x3FFB];
	_ =	sdelay $0x3  }
0x92: {  	_ =	strace s18  }
0x93: {  	s3 =	sld [smem:$0x3FFC];
	_ =	sdelay $0x3  }
0x94: {  	_ =	strace s3  }
0x95: {  	s3 =	sld [smem:$0x3FFD];
	_ =	sdelay $0x3  }
0x96: {  	_ =	strace s3  }
0x97: {  	_ =	strace $0x8FFFFFFF  }
0x98: {  	s19 =	sld [smem:$0x3FDB];
	_ =	sdelay $0x1  }
0x99: {  	s4 =	simm.s32 $_scs_section_size  }
0x9a: {  	s5 =	simm.s32 $_size__tile_overlayer_lowered;
	s6 =	simm.s32 $_tile_overlayer_lowered  }
0x9b: {  	s22 =	simm.s32 $0x1BFF;
	s21 =	sshll.u32 s6, $0x1;
	s3 =	sadd.s32 s4, s19  }
0x9c: {  	s7 =	simm.s32 $0x0;
	s20 =	sshll.u32 s5, $0x1;
	s5 =	sadd.s32 s21, s3  }
0x9d: {  	[timem:s7], [sflag:s22] =	dma.local [hbm:s5], s20  }
0x9e: {  	_ =	swait.ge [sflag:s22], s20  }
0x9f: {  	s4 =	ssub.s32 $0x0, s20;
	[sflag:s22] =	ssyncset.done $0x0  }
0xa0: {  	[sflag:s22] =	ssyncadd.s32 s4;
	_ =	sdelay $0x1  }
0xa1: {  	s23 =	simm.s32 $0x1B8B  }
0xa2: {  	_ =	swait.ge [sflag:s23], $0x1  }
0xa3: {  	[sflag:s23] =	ssyncset.done $0x0  }
0xa4: {  	s25 =	simm.s32 $0x1B8E;
	s24 =	sld [smem:$0x3FFE];
	[sflag:s23] =	ssyncadd.s32 $0xFFFFFFFF  }
0xa5: {  	s26 =	simm.s32 $execute0_lowered;
	[smem:$0x3FD2] =	sst s25  }
0xa6: {  	s5 =	sshll.u32 s26, $0x1;
	_ =	strace $0x80000049;
	[dreg:$0x1] =	wrdreg $0xFFFFFFFF  }
0xa7: {  	s28 =	simm.s32 $_size_execute0_lowered;
	s3 =	sadd.s32 s3, s5;
	[dreg:$0x0] =	wrdreg $0x0  }
0xa8: {  	s5 =	sshll.u32 s28, $0x1;
	[dreg:$0x2] =	wrdreg s3  }
0xa9: {  	[dreg:$0x3] =	wrdreg s5  }
0xaa: {  	[dreg:$0x4] =	wrdreg $0xC0  }
0xab: {  	_ =	task [dreg:s7], $0x5FFFF  }
0xac: {  	[dreg:$0x1] =	wrdreg $0xFFFFFFFF  }
0xad: {  	[dreg:$0x0] =	wrdreg $0x60  }
0xae: {  	[dreg:$0x2] =	wrdreg s24  }
0xaf: {  	[dreg:$0x3] =	wrdreg s2  }
0xb0: {  	[dreg:$0x4] =	wrdreg $0xA8000  }
0xb1: {  	[dreg:$0x5] =	wrdreg $0x9  }
0xb2: {  	_ =	task.clear_ibuf [dreg:s7], $0x6FFFF;
	_ =	strace $0x90000049  }
0xb3: {  	s29 =	simm.s32 $0x9;
	_ =	strace $0x8000004B  }
0xb4: {  	_ =	swait.ge [sflag:s29], $0x1  }
0xb5: {  	[sflag:s29] =	ssyncadd.s32 $0xFFFFFFFF  }
0xb6: {  	_ =	strace $0x9000004B  }
0xb7: {  	_ =	sfence  }
0xb8: {  	s30 =	sld [smem:$0x0];
	_ =	sdelay $0x2  }
0xb9: {  	s31 =	sshll.u32 s1, $0xD;
	s1 =	sshrl.u32 s1, $0x2  }
0xba: {  	s3 =	sand.u32 $0x4000, s31;
	s1 =	sadd.s32 s1, s30  }
0xbb: {  	s0 =	sor.u32 s3, s0;
	s1 =	sshll.u32 s1, $0x11  }
0xbc: {  	s0 =	sor.u32 s1, s0  }
0xbd: {  	s0 =	sadd.s32 $0x8F2B, s0  }
0xbe: {  	[sflag:s0] =	ssyncadd.remote.s32 $0x1  }
0xbf: {  	_ =	sfence.sel $0xFFFF  }
0xc0: {  	[dreg:$0x0] =	wrdreg $0xFFFFFFFF;
	(pc) =	sbr.abs _section_cstart, $3  }
0xc1: {  	[dreg:$0x1] =	wrdreg $0xFFFFFFFF  }
0xc2: {  	_ =	task.clear_ibuf [dreg:s7], $0x2FFFF;
	_ =	strace $0x9FFFFFFF  }
0xc3: {  	(tm) =	ssettm $0x7FFFFFFF  }
tec
execute0_lowered:
.L_overlay_start_1:
0x0: {  	(tag) =	ssettag $0x1  }
0x1: {  	s5 =	rddreg [dreg:$0x0]  }
0x2: {  	s11 =	rddreg [dreg:$0x1]  }
0x3: {  	s2 =	rddreg [dreg:$0x2]  }
0x4: {  	s0 =	rddreg [dreg:$0x3];
	s4 =	srdreg.scid  }
0x5: {  	s1 =	stileid.u32;
	s3 =	simm.s32 $0x0;
	s15 =	simm.s32 $0x1400  }
0x6: {  	s16 =	simm.s32 $0x80;
	s17 =	simm.s32 $0x2800;
	s18 =	simm.s32 $0x6800  }
0x7: {  	s19 =	simm.s32 $0x1;
	s20 =	simm.s32 $0x2;
	s21 =	simm.s32 $0x1380  }
0x8: {  	s22 =	simm.s32 $0x2700;
	s23 =	simm.s32 $0x2780;
	s24 =	simm.s32 $0x0  }
0x9: {  	s6 =	sand.u32 $0x1, s4;
	s7 =	smul.u32 $0x2800, s1;
	[smem:$0x7FF] =	sst s3  }
0xa: {  	s4 =	sadd.s32 $0xCE00, s5;
	s12 =	sadd.s32 $0x2E00, s5;
	s10 =	smul.u32 $0x50000, s1  }
0xb: {  	s13 =	sshll.u32 s1, $0x1;
	s30 =	sshll.u32 s1, $0x6;
	s8 =	smul.u32 $0x28000, s6  }
0xc: {  	_ =	strace $0x8000004A;
	s9 =	ssub.s32 $0x2, s6;
	s26 =	sor.u32 s6, s13  }
0xd: {  	s6 =	sor.u32 $0x1C03, s30;
	s25 =	sshrl.u32 s9, $0x1;
	s28 =	sshrl.u32 s10, $0x2  }
0xe: {  	s31 =	smul.u32 $0x500, s26;
	s8 =	sadd.s32 s7, s8;
	s9 =	ssub.s32 s9, s25  }
0xf: {  	s29 =	sadd.s32 s28, s2;
	s8 =	sadd.s32 s8, s5;
	s5 =	sadd.s32 s4, s7  }
0x10: {  	s14 =	sadd.s32 $0x280, s31;
	s10 =	sadd.s32 s12, s31;
	s13 =	sshrl.u32 s29, $0x3  }
0x11: {  	s7 =	sadd.s32 $0x34E00, s8;
	s8 =	smax.u32 s9, $0x1;
	s9 =	sadd.s32 s11, s31  }
0x12: {  	s11 =	sadd.s32 s11, s14;
	s12 =	sadd.s32 s12, s14;
	s14 =	simm.s32 $0x3  }
.LBB2_1:
0x13: {  	[spmem:s13], [sflag:s6] =	dma.local [hbm:s5], $0x2800  }
0x14: {  	_ =	swait.ge [sflag:s14], $0x2800  }
0x15: {  	[sflag:s14] =	ssyncset.done $0x0  }
0x16: {  	[sflag:s14] =	ssyncadd.s32 $0xFFFFD800  }
0x17: {  	[bflag:$0x0] =	sbarrier.arrive $0xFFFF  }
0x18: {  	[tilespmem:s3], [sflag:$0x3] =	stream.linear.gather [hbm4b:s9+s3], $0x1400, $0x38;
	[tilespmem:$0x1E800] =	vst v63  }
0x19: {  	_ =	swait.ge [sflag:s14], $0x1400  }
0x1a: {  	[sflag:s14] =	ssyncset.done $0x0  }
0x1b: {  	[sflag:s14] =	ssyncadd.s32 $0xFFFFEC00  }
0x1c: {  	[tilespmem:s15], [sflag:$0x3] =	stream.linear.gather [hbm4b:s10+s3], $0x1400, $0x38;
	[tilespmem:$0x1E800] =	vst v63  }
0x1d: {  	_ =	swait.ge [sflag:s14], $0x1400  }
0x1e: {  	[sflag:s14] =	ssyncset.done $0x0  }
0x1f: {  	[sflag:s14] =	ssyncadd.s32 $0xFFFFEC00  }
0x20: {  	[tilespmem:s17], [sflag:$0x1] =	stream.indirect.gather [hbm4b:s4+s16], $0x80, s3, s16, $0xb8;
	[tilespmem:$0x1E800] =	vst v63  }
0x21: {  	s25 =	simm.s32 $0x80  }
0x22: {  	[tilespmem:s18], [sflag:$0x2] =	stream.indirect.gather [hbm4b:s4+s16], $0x80, s25, s16, $0xb8;
	[tilespmem:$0x1E800] =	vst v63  }
0x23: {  	_ =	swait.ge [sflag:s19], $0x4000  }
0x24: {  	[sflag:s19] =	ssyncset.done $0x0  }
0x25: {  	s29 =	simm.s32 $0x1400;
	[sflag:s19] =	ssyncadd.s32 $0xFFFFC000  }
0x26: {  	[spmem:s2] =	stream.indirect.scatter.add.f32 [tilespmem:s17], [sflag:$0x3], $0x80, s29, s16, $0xb8;
	[tilespmem:$0x1E800] =	vst v63  }
0x27: {  	_ =	swait.ge [sflag:s14], $0x4000  }
0x28: {  	[sflag:s14] =	ssyncset.done $0x0  }
0x29: {  	s30 =	simm.s32 $0x100;
	[sflag:s14] =	ssyncadd.s32 $0xFFFFC000  }
0x2a: {  	[tilespmem:s17], [sflag:$0x1] =	stream.indirect.gather [hbm4b:s4+s16], $0x80, s30, s16, $0xb8;
	[tilespmem:$0x1E800] =	vst v63  }
0x2b: {  	_ =	swait.ge [sflag:s20], $0x4000  }
0x2c: {  	[sflag:s20] =	ssyncset.done $0x0  }
0x2d: {  	s31 =	simm.s32 $0x1480;
	[sflag:s20] =	ssyncadd.s32 $0xFFFFC000  }
0x2e: {  	[spmem:s2] =	stream.indirect.scatter.add.f32 [tilespmem:s18], [sflag:$0x3], $0x80, s31, s16, $0xb8;
	[tilespmem:$0x1E800] =	vst v63  }
0x2f: {  	_ =	swait.ge [sflag:s14], $0x4000  }
0x30: {  	s26 =	simm.s32 $0x800;
	s25 =	simm.s32 $0x100;
	[sflag:s14] =	ssyncset.done $0x0  }
.LBB2_2:
0x31: {  	s28 =	sadd.s32 $0x80, s25  }
0x32: {  	[sflag:s14] =	ssyncadd.s32 $0xFFFFC000;
	s29 =	smov.u32 s26;
	s30 =	sadd.s32 $0x400, s26  }
0x33: {  	[tilespmem:s18], [sflag:$0x2] =	stream.indirect.gather [hbm4b:s4+s16], $0x80, s28, s16, $0xb8;
	[tilespmem:$0x1E800] =	vst v63  }
0x34: {  	p0 =	sne.s32 s26, $0x4800;
	_ =	swait.ge [sflag:s19], $0x4000  }
0x35: {  	[sflag:s19] =	ssyncset.done $0x0  }
0x36: {  	s26 =	sadd.s32 $0x1400, s25;
	[sflag:s19] =	ssyncadd.s32 $0xFFFFC000  }
0x37: {  	[spmem:s2] =	stream.indirect.scatter.add.f32 [tilespmem:s17], [sflag:$0x3], $0x80, s26, s16, $0xb8;
	[tilespmem:$0x1E800] =	vst v63  }
0x38: {  	_ =	swait.ge [sflag:s14], $0x4000  }
0x39: {  	[sflag:s14] =	ssyncset.done $0x0  }
0x3a: {  	s26 =	sadd.s32 $0x100, s25;
	[sflag:s14] =	ssyncadd.s32 $0xFFFFC000  }
0x3b: {  	[tilespmem:s17], [sflag:$0x1] =	stream.indirect.gather [hbm4b:s4+s16], $0x80, s26, s16, $0xb8;
	[tilespmem:$0x1E800] =	vst v63  }
0x3c: {  	_ =	swait.ge [sflag:s20], $0x4000  }
.Ltmp0:
0x3d: {  	[sflag:s20] =	ssyncset.done $0x0;
	(pc) =	sbr.rel @p0 .LBB2_2-.Ltmp0, $4  }
0x3e: {  	s25 =	sadd.s32 $0x1480, s25;
	[sflag:s20] =	ssyncadd.s32 $0xFFFFC000  }
0x3f: {  	[spmem:s2] =	stream.indirect.scatter.add.f32 [tilespmem:s18], [sflag:$0x3], $0x80, s25, s16, $0xb8;
	[tilespmem:$0x1E800] =	vst v63  }
0x40: {  	_ =	swait.ge [sflag:s14], $0x4000  }
0x41: {  	s26 =	smov.u32 s30;
	s25 =	sshra.s32 s29, $0x2;
	[sflag:s14] =	ssyncset.done $0x0  }
0x42: {  	s26 =	sadd.s32 $0x80, s25;
	[sflag:s14] =	ssyncadd.s32 $0xFFFFC000  }
0x43: {  	[tilespmem:s18], [sflag:$0x2] =	stream.indirect.gather [hbm4b:s4+s16], $0x80, s26, s16, $0xb8;
	[tilespmem:$0x1E800] =	vst v63  }
0x44: {  	_ =	swait.ge [sflag:s19], $0x4000  }
0x45: {  	[sflag:s19] =	ssyncset.done $0x0  }
0x46: {  	s29 =	sadd.s32 $0x1400, s25;
	[sflag:s19] =	ssyncadd.s32 $0xFFFFC000  }
0x47: {  	[spmem:s2] =	stream.indirect.scatter.add.f32 [tilespmem:s17], [sflag:$0x3], $0x80, s29, s16, $0xb8;
	[tilespmem:$0x1E800] =	vst v63  }
0x48: {  	_ =	swait.ge [sflag:s14], $0x4000  }
0x49: {  	[sflag:s14] =	ssyncset.done $0x0  }
0x4a: {  	s30 =	sadd.s32 $0x100, s25;
	[sflag:s14] =	ssyncadd.s32 $0xFFFFC000  }
0x4b: {  	[tilespmem:s17], [sflag:$0x1] =	stream.indirect.gather [hbm4b:s4+s16], $0x80, s30, s16, $0xb8;
	[tilespmem:$0x1E800] =	vst v63  }
0x4c: {  	_ =	swait.ge [sflag:s20], $0x4000  }
0x4d: {  	[sflag:s20] =	ssyncset.done $0x0  }
0x4e: {  	s31 =	sadd.s32 $0x1480, s25;
	[sflag:s20] =	ssyncadd.s32 $0xFFFFC000  }
0x4f: {  	[spmem:s2] =	stream.indirect.scatter.add.f32 [tilespmem:s18], [sflag:$0x3], $0x80, s31, s16, $0xb8;
	[tilespmem:$0x1E800] =	vst v63  }
0x50: {  	_ =	swait.ge [sflag:s14], $0x4000  }
0x51: {  	[sflag:s14] =	ssyncset.done $0x0  }
0x52: {  	[sflag:s14] =	ssyncadd.s32 $0xFFFFC000  }
0x53: {  	[tilespmem:s18], [sflag:$0x2] =	stream.indirect.gather [hbm4b:s4+s16], $0x80, s21, s16, $0xb8;
	[tilespmem:$0x1E800] =	vst v63  }
0x54: {  	_ =	swait.ge [sflag:s19], $0x4000  }
0x55: {  	[sflag:s19] =	ssyncset.done $0x0  }
0x56: {  	[sflag:s19] =	ssyncadd.s32 $0xFFFFC000  }
0x57: {  	[spmem:s2] =	stream.indirect.scatter.add.f32 [tilespmem:s17], [sflag:$0x3], $0x80, s22, s16, $0xb8;
	[tilespmem:$0x1E800] =	vst v63  }
0x58: {  	_ =	swait.ge [sflag:s14], $0x4000  }
0x59: {  	[sflag:s14] =	ssyncset.done $0x0  }
0x5a: {  	[sflag:s14] =	ssyncadd.s32 $0xFFFFC000  }
0x5b: {  	_ =	swait.ge [sflag:s20], $0x4000  }
0x5c: {  	[sflag:s20] =	ssyncset.done $0x0  }
0x5d: {  	[sflag:s20] =	ssyncadd.s32 $0xFFFFC000  }
0x5e: {  	[spmem:s2] =	stream.indirect.scatter.add.f32 [tilespmem:s18], [sflag:$0x3], $0x80, s23, s16, $0xb8;
	[tilespmem:$0x1E800] =	vst v63  }
0x5f: {  	_ =	swait.ge [sflag:s14], $0x4000  }
0x60: {  	[sflag:s14] =	ssyncset.done $0x0  }
0x61: {  	s26 =	simm.s32 $0x0;
	[sflag:s14] =	ssyncadd.s32 $0xFFFFC000  }
0x62: {  	[tilespmem:s26], [sflag:$0x3] =	stream.linear.gather [hbm4b:s11+s26], $0x1400, $0x38;
	[tilespmem:$0x1E800] =	vst v63  }
0x63: {  	_ =	swait.ge [sflag:s14], $0x1400  }
0x64: {  	[sflag:s14] =	ssyncset.done $0x0  }
0x65: {  	[sflag:s14] =	ssyncadd.s32 $0xFFFFEC00  }
0x66: {  	[tilespmem:s15], [sflag:$0x3] =	stream.linear.gather [hbm4b:s12+s26], $0x1400, $0x38;
	[tilespmem:$0x1E800] =	vst v63  }
0x67: {  	_ =	swait.ge [sflag:s14], $0x1400  }
0x68: {  	[sflag:s14] =	ssyncset.done $0x0  }
0x69: {  	[sflag:s14] =	ssyncadd.s32 $0xFFFFEC00  }
0x6a: {  	[tilespmem:s17], [sflag:$0x1] =	stream.indirect.gather [hbm4b:s4+s16], $0x80, s26, s16, $0xb8;
	[tilespmem:$0x1E800] =	vst v63  }
0x6b: {  	s28 =	simm.s32 $0x80  }
0x6c: {  	[tilespmem:s18], [sflag:$0x2] =	stream.indirect.gather [hbm4b:s4+s16], $0x80, s28, s16, $0xb8;
	[tilespmem:$0x1E800] =	vst v63  }
0x6d: {  	_ =	swait.ge [sflag:s19], $0x4000  }
0x6e: {  	[sflag:s19] =	ssyncset.done $0x0  }
0x6f: {  	s29 =	simm.s32 $0x1400;
	[sflag:s19] =	ssyncadd.s32 $0xFFFFC000  }
0x70: {  	[spmem:s2] =	stream.indirect.scatter.add.f32 [tilespmem:s17], [sflag:$0x3], $0x80, s29, s16, $0xb8;
	[tilespmem:$0x1E800] =	vst v63  }
0x71: {  	_ =	swait.ge [sflag:s14], $0x4000  }
0x72: {  	[sflag:s14] =	ssyncset.done $0x0  }
0x73: {  	s30 =	simm.s32 $0x100;
	[sflag:s14] =	ssyncadd.s32 $0xFFFFC000  }
0x74: {  	[tilespmem:s17], [sflag:$0x1] =	stream.indirect.gather [hbm4b:s4+s16], $0x80, s30, s16, $0xb8;
	[tilespmem:$0x1E800] =	vst v63  }
0x75: {  	_ =	swait.ge [sflag:s20], $0x4000  }
0x76: {  	[sflag:s20] =	ssyncset.done $0x0  }
0x77: {  	s31 =	simm.s32 $0x1480;
	[sflag:s20] =	ssyncadd.s32 $0xFFFFC000  }
0x78: {  	[spmem:s2] =	stream.indirect.scatter.add.f32 [tilespmem:s18], [sflag:$0x3], $0x80, s31, s16, $0xb8;
	[tilespmem:$0x1E800] =	vst v63  }
0x79: {  	_ =	swait.ge [sflag:s14], $0x4000  }
0x7a: {  	s25 =	simm.s32 $0x100;
	s26 =	simm.s32 $0x800;
	[sflag:s14] =	ssyncset.done $0x0  }
.LBB2_4:
0x7b: {  	s28 =	sadd.s32 $0x80, s25  }
0x7c: {  	[sflag:s14] =	ssyncadd.s32 $0xFFFFC000;
	s29 =	smov.u32 s26;
	s30 =	sadd.s32 $0x400, s26  }
0x7d: {  	[tilespmem:s18], [sflag:$0x2] =	stream.indirect.gather [hbm4b:s4+s16], $0x80, s28, s16, $0xb8;
	[tilespmem:$0x1E800] =	vst v63  }
0x7e: {  	p0 =	sne.s32 s26, $0x4800;
	_ =	swait.ge [sflag:s19], $0x4000  }
0x7f: {  	[sflag:s19] =	ssyncset.done $0x0  }
0x80: {  	s26 =	sadd.s32 $0x1400, s25;
	[sflag:s19] =	ssyncadd.s32 $0xFFFFC000  }
0x81: {  	[spmem:s2] =	stream.indirect.scatter.add.f32 [tilespmem:s17], [sflag:$0x3], $0x80, s26, s16, $0xb8;
	[tilespmem:$0x1E800] =	vst v63  }
0x82: {  	_ =	swait.ge [sflag:s14], $0x4000  }
0x83: {  	[sflag:s14] =	ssyncset.done $0x0  }
0x84: {  	s26 =	sadd.s32 $0x100, s25;
	[sflag:s14] =	ssyncadd.s32 $0xFFFFC000  }
0x85: {  	[tilespmem:s17], [sflag:$0x1] =	stream.indirect.gather [hbm4b:s4+s16], $0x80, s26, s16, $0xb8;
	[tilespmem:$0x1E800] =	vst v63  }
0x86: {  	_ =	swait.ge [sflag:s20], $0x4000  }
.Ltmp1:
0x87: {  	[sflag:s20] =	ssyncset.done $0x0;
	(pc) =	sbr.rel @p0 .LBB2_4-.Ltmp1, $4  }
0x88: {  	s25 =	sadd.s32 $0x1480, s25;
	[sflag:s20] =	ssyncadd.s32 $0xFFFFC000  }
0x89: {  	[spmem:s2] =	stream.indirect.scatter.add.f32 [tilespmem:s18], [sflag:$0x3], $0x80, s25, s16, $0xb8;
	[tilespmem:$0x1E800] =	vst v63  }
0x8a: {  	_ =	swait.ge [sflag:s14], $0x4000  }
0x8b: {  	s26 =	smov.u32 s30;
	s25 =	sshra.s32 s29, $0x2;
	[sflag:s14] =	ssyncset.done $0x0  }
0x8c: {  	s26 =	sadd.s32 $0x80, s25;
	[sflag:s14] =	ssyncadd.s32 $0xFFFFC000  }
0x8d: {  	[tilespmem:s18], [sflag:$0x2] =	stream.indirect.gather [hbm4b:s4+s16], $0x80, s26, s16, $0xb8;
	[tilespmem:$0x1E800] =	vst v63  }
0x8e: {  	_ =	swait.ge [sflag:s19], $0x4000  }
0x8f: {  	[sflag:s19] =	ssyncset.done $0x0  }
0x90: {  	s29 =	sadd.s32 $0x1400, s25;
	[sflag:s19] =	ssyncadd.s32 $0xFFFFC000  }
0x91: {  	[spmem:s2] =	stream.indirect.scatter.add.f32 [tilespmem:s17], [sflag:$0x3], $0x80, s29, s16, $0xb8;
	[tilespmem:$0x1E800] =	vst v63  }
0x92: {  	_ =	swait.ge [sflag:s14], $0x4000  }
0x93: {  	[sflag:s14] =	ssyncset.done $0x0  }
0x94: {  	s30 =	sadd.s32 $0x100, s25;
	[sflag:s14] =	ssyncadd.s32 $0xFFFFC000  }
0x95: {  	[tilespmem:s17], [sflag:$0x1] =	stream.indirect.gather [hbm4b:s4+s16], $0x80, s30, s16, $0xb8;
	[tilespmem:$0x1E800] =	vst v63  }
0x96: {  	_ =	swait.ge [sflag:s20], $0x4000  }
0x97: {  	[sflag:s20] =	ssyncset.done $0x0  }
0x98: {  	s31 =	sadd.s32 $0x1480, s25;
	[sflag:s20] =	ssyncadd.s32 $0xFFFFC000  }
0x99: {  	[spmem:s2] =	stream.indirect.scatter.add.f32 [tilespmem:s18], [sflag:$0x3], $0x80, s31, s16, $0xb8;
	[tilespmem:$0x1E800] =	vst v63  }
0x9a: {  	_ =	swait.ge [sflag:s14], $0x4000  }
0x9b: {  	[sflag:s14] =	ssyncset.done $0x0  }
0x9c: {  	[sflag:s14] =	ssyncadd.s32 $0xFFFFC000  }
0x9d: {  	[tilespmem:s18], [sflag:$0x2] =	stream.indirect.gather [hbm4b:s4+s16], $0x80, s21, s16, $0xb8;
	[tilespmem:$0x1E800] =	vst v63  }
0x9e: {  	_ =	swait.ge [sflag:s19], $0x4000  }
0x9f: {  	[sflag:s19] =	ssyncset.done $0x0  }
0xa0: {  	[sflag:s19] =	ssyncadd.s32 $0xFFFFC000  }
0xa1: {  	[spmem:s2] =	stream.indirect.scatter.add.f32 [tilespmem:s17], [sflag:$0x3], $0x80, s22, s16, $0xb8;
	[tilespmem:$0x1E800] =	vst v63  }
0xa2: {  	_ =	swait.ge [sflag:s14], $0x4000  }
0xa3: {  	[sflag:s14] =	ssyncset.done $0x0  }
0xa4: {  	[sflag:s14] =	ssyncadd.s32 $0xFFFFC000  }
0xa5: {  	_ =	swait.ge [sflag:s20], $0x4000  }
0xa6: {  	[sflag:s20] =	ssyncset.done $0x0  }
0xa7: {  	[sflag:s20] =	ssyncadd.s32 $0xFFFFC000  }
0xa8: {  	[spmem:s2] =	stream.indirect.scatter.add.f32 [tilespmem:s18], [sflag:$0x3], $0x80, s23, s16, $0xb8;
	[tilespmem:$0x1E800] =	vst v63  }
0xa9: {  	_ =	swait.ge [sflag:s14], $0x4000  }
0xaa: {  	s24 =	sadd.s32 $0x1, s24;
	[sflag:s14] =	ssyncset.done $0x0  }
0xab: {  	p0 =	sne.s32 s24, s8;
	[sflag:s14] =	ssyncadd.s32 $0xFFFFC000  }
.Ltmp2:
0xac: {  	[bflag:$0x0] =	sbarrier.arrive $0xFFFF;
	(pc) =	sbr.rel @p0 .LBB2_1-.Ltmp2, $4  }
0xad: {  	[hbm:s7], [sflag:s6] =	dma.local [spmem:s13], $0x2800  }
0xae: {  	_ =	swait.ge [sflag:s14], $0x2800  }
0xaf: {  	[sflag:s14] =	ssyncset.done $0x0  }
0xb0: {  	[sflag:s14] =	ssyncadd.s32 $0xFFFFD800  }
0xb1: {  	_ =	sfence.sel $0x180000  }
0xb2: {  	[bflag:$0x0] =	sbarrier.arrive $0xFFFF  }
0xb3: {  	p0 =	sne.s32 s1, $0x0;
	_ =	strace $0x9000004A  }
0xb4: {  	s0 =	sadd.s32 @!p0 $0x100000, s0;
	[bflag:$0x2] =	sbarrier.arrive $0xFFFF  }
0xb5: {  	[sflag:s0] =	ssyncadd.tile.s32 @!p0 $0x1;
	_ =	shalt  }
.Lfunc_end2:
_tile_overlayer_lowered:
.L_overlay_start_2:
0xb6: {  	(tag) =	ssettag $0x2  }
0xb7: {  	s0 =	rddreg [dreg:$0x0];
	s2 =	stileid.u32  }
0xb8: {  	s1 =	rddreg [dreg:$0x1];
	p0 =	sne.s32 s2, $0x0  }
0xb9: {  	s3 =	rddreg [dreg:$0x2];
	[bflag:$0x3] =	sbarrier.arrive $0xFFFF;
	s2 =	simm.s32 @!p0 $0x1C03  }
0xba: {  	[timem:s3], [sflag:s2] =	dma.local @!p0 [hbm:s0], s1  }
0xbb: {  	s0 =	simm.s32 @!p0 $0x3  }
0xbc: {  	_ =	swait.ge @!p0 [sflag:s0], s1  }
0xbd: {  	s1 =	ssub.s32 @!p0 $0x0, s1;
	[sflag:s0] =	ssyncset.done @!p0 $0x0  }
0xbe: {  	[sflag:s0] =	ssyncadd.s32 @!p0 s1  }
0xbf: {  	[bflag:$0x3] =	sbarrier.arrive $0xFFFF  }
0xc0: {  	_ =	shalt  }

// kernel: kernel.14.cloned.1.call-start
scs
__scs_entry_jumppad:
0x0: {  	(pc) =	sbr.rel $0x88, $3  }
0x1: {  	(tag) =	ssettag $0x0;
	lr =	simm.s32 $0x1  }
0x2: {  	[smem:$0x3F97] =	sst lr;
	_ =	strace $0xD0000000  }
0x3: {  	_ = 	snop  }
0x4: {  	_ = 	snop  }
0x5: {  	_ = 	snop  }
0x6: {  	_ = 	snop  }
0x7: {  	_ = 	snop  }
__scs_overlays_trampoline_lowered:
0x8: {  	[smem:$0x3FA6] =	sst s0  }
0x9: {  	[smem:$0x3FA7] =	sst s1  }
0xa: {  	[smem:$0x3FA8] =	sst s2  }
0xb: {  	[smem:$0x3FA9] =	sst s3  }
0xc: {  	[smem:$0x3FAA] =	sst s4  }
0xd: {  	[smem:$0x3FAB] =	sst s5  }
0xe: {  	[smem:$0x3FAC] =	sst s6  }
0xf: {  	[smem:$0x3FAD] =	sst s7  }
0x10: {  	[smem:$0x3FAE] =	sst s8  }
0x11: {  	[smem:$0x3FAF] =	sst s9;
	s0 =	simm.s32 @!p0 $0x0  }
0x12: {  	s1 =	sld [smem:$0x3F95];
	s0 =	simm.s32 @p0 $0x1  }
0x13: {  	[smem:$0x3FB0] =	sst s0;
	s0 =	simm.s32 @!p1 $0x0  }
0x14: {  	s2 =	sld [smem:$0x3F94];
	s0 =	simm.s32 @p1 $0x1  }
0x15: {  	[smem:$0x3FB1] =	sst s0;
	s0 =	simm.s32 @!p2 $0x0  }
0x16: {  	s3 =	sld [smem:$0x3FDB];
	s0 =	simm.s32 @p2 $0x1  }
0x17: {  	s4 =	simm.s32 $0x1BF5;
	[smem:$0x3FB3] =	sst s0  }
0x18: {  	s0 =	sld [smem:$0x3F96];
	_ =	swait.ge [sflag:s4], $0x0  }
0x19: {  	s7 =	sld [smem:$0x3F97]  }
0x1a: {  	s8 =	sadd.s32 $0xFFFFE003, lr  }
0x1b: {  	s9 =	sadd.s32 $0xFFFFFEF7, lr;
	s5 =	simm.s32 $0xFFFFFFFF;
	p2 =	slt.u32 s8, $0xFFFFF086  }
0x1c: {  	p1 =	slt.u32 s9, $0xF7A;
	s5 =	simm.s32 @!p2 $0x0  }
0x1d: {  	s5 =	simm.s32 @p1 $0x1;
	p0 =	seq.s32 s7, s2  }
0x1e: {  	s7 =	smul.u32 @!p0 $0xF7A, s2;
	p2 =	seq.s32 @!p0 s5, $0x0  }
0x1f: {  	s9 =	smul.u32 $0xF7A, s1;
	s8 =	simm.s32 @!p0 $0x1BF5;
	p2 =	por !p2, p0  }
0x20: {  	[sflag:s8] =	ssyncset.s32 @!p0 $0xFFFFF086;
	s6 =	sadd.s32 @!p0 s3, s7;
	s7 =	simm.s32 @!p0 $0x108  }
0x21: {  	s3 =	sadd.s32 s3, s9;
	s6 =	sadd.s32 @!p0 $0x88, s6;
	s7 =	simm.s32 @p2 $0x1082  }
0x22: {  	[simem:s7], [sflag:s8] =	dma.local @!p0 [hbm:s6], $0xF7A  }
0x23: {  	s9 =	sor.u32 $0xD0000000, s2;
	s6 =	simm.s32 $0x108;
	_ =	swait.ge @!p0 [sflag:s8], $0x0  }
0x24: {  	s3 =	sadd.s32 $0x88, s3;
	s6 =	simm.s32 @!p1 $0x1082;
	[sflag:s4] =	ssyncset.s32 $0xFFFFF086  }
0x25: {  	[simem:s6], [sflag:s4] =	dma.local [hbm:s3], $0xF7A  }
0x26: {  	[smem:$0x3F97] =	sst s1;
	(tag) =	ssettag s2;
	_ =	strace s9  }
0x27: {  	s1 =	sld [smem:$0x3FA7]  }
0x28: {  	s2 =	sld [smem:$0x3FA8]  }
0x29: {  	s4 =	sld [smem:$0x3FAA]  }
0x2a: {  	p0 =	seq.s32 s5, $0x0;
	s5 =	sld [smem:$0x3FAB]  }
0x2b: {  	s6 =	sld [smem:$0x3FAC]  }
0x2c: {  	s7 =	sld [smem:$0x3FAD]  }
0x2d: {  	s3 =	simm.s32 $0x108;
	s8 =	sld [smem:$0x3FAE]  }
0x2e: {  	s3 =	simm.s32 @!p0 $0x1082;
	s9 =	sld [smem:$0x3FAF]  }
0x2f: {  	lr =	sadd.s32 s0, s3;
	s0 =	sld [smem:$0x3FA6]  }
0x30: {  	s3 =	sld [smem:$0x3FA9]  }
0x31: {  	[smem:$0x3FB2] =	sst s10  }
0x32: {  	s10 =	sld [smem:$0x3FB0];
	_ =	sdelay $0x3  }
0x33: {  	p0 =	seq.s32 s10, $0x1;
	s10 =	sld [smem:$0x3FB2];
	_ =	sdelay $0x3  }
0x34: {  	[smem:$0x3FB2] =	sst s10  }
0x35: {  	s10 =	sld [smem:$0x3FB1];
	_ =	sdelay $0x3  }
0x36: {  	p1 =	seq.s32 s10, $0x1;
	s10 =	sld [smem:$0x3FB2];
	_ =	sdelay $0x3  }
0x37: {  	[smem:$0x3FB2] =	sst s10  }
0x38: {  	s10 =	sld [smem:$0x3FB3]  }
0x39: {  	_ = 	snop;
	(pc) =	sbr.ind lr, $3  }
0x3a: {  	_ = 	snop  }
0x3b: {  	_ = 	snop  }
0x3c: {  	p2 =	seq.s32 s10, $0x1;
	s10 =	sld [smem:$0x3FB2]  }
0x3d: {  	_ =	shalt  }
0x3e: {  	_ =	shalt  }
0x3f: {  	_ =	shalt  }
0x40: {  	_ =	shalt  }
0x41: {  	_ =	shalt  }
0x42: {  	_ =	shalt  }
0x43: {  	_ =	shalt  }
0x44: {  	_ =	shalt  }
0x45: {  	_ =	shalt  }
0x46: {  	_ =	shalt  }
0x47: {  	_ =	shalt  }
0x48: {  	_ =	shalt  }
0x49: {  	_ =	shalt  }
0x4a: {  	_ =	shalt  }
0x4b: {  	_ =	shalt  }
0x4c: {  	_ =	shalt  }
0x4d: {  	_ =	shalt  }
0x4e: {  	_ =	shalt  }
0x4f: {  	_ =	shalt  }
0x50: {  	_ =	shalt  }
0x51: {  	_ =	shalt  }
0x52: {  	_ =	shalt  }
0x53: {  	_ =	shalt  }
0x54: {  	_ =	shalt  }
0x55: {  	_ =	shalt  }
0x56: {  	_ =	shalt  }
0x57: {  	_ =	shalt  }
0x58: {  	_ =	shalt  }
0x59: {  	_ =	shalt  }
0x5a: {  	_ =	shalt  }
0x5b: {  	_ =	shalt  }
0x5c: {  	_ =	shalt  }
0x5d: {  	_ =	shalt  }
0x5e: {  	_ =	shalt  }
0x5f: {  	_ =	shalt  }
0x60: {  	_ =	shalt  }
0x61: {  	_ =	shalt  }
0x62: {  	_ =	shalt  }
0x63: {  	_ =	shalt  }
0x64: {  	_ =	shalt  }
0x65: {  	_ =	shalt  }
0x66: {  	_ =	shalt  }
0x67: {  	_ =	shalt  }
0x68: {  	_ =	shalt  }
0x69: {  	_ =	shalt  }
0x6a: {  	_ =	shalt  }
0x6b: {  	_ =	shalt  }
0x6c: {  	_ =	shalt  }
0x6d: {  	_ =	shalt  }
0x6e: {  	_ =	shalt  }
0x6f: {  	_ =	shalt  }
0x70: {  	_ =	shalt  }
0x71: {  	_ =	shalt  }
0x72: {  	_ =	shalt  }
0x73: {  	_ =	shalt  }
0x74: {  	_ =	shalt  }
0x75: {  	_ =	shalt  }
0x76: {  	_ =	shalt  }
0x77: {  	_ =	shalt  }
0x78: {  	_ =	shalt  }
0x79: {  	_ =	shalt  }
0x7a: {  	_ =	shalt  }
0x7b: {  	_ =	shalt  }
0x7c: {  	_ =	shalt  }
0x7d: {  	_ =	shalt  }
0x7e: {  	_ =	shalt  }
0x7f: {  	_ =	shalt  }
0x80: {  	_ =	shalt  }
0x81: {  	_ =	shalt  }
0x82: {  	_ =	shalt  }
0x83: {  	_ =	shalt  }
0x84: {  	_ =	shalt  }
0x85: {  	_ =	shalt  }
0x86: {  	_ =	shalt  }
0x87: {  	_ =	shalt  }
.Lfunc_end0:
.L_simem_size_0:
called_computation.2_lowered:
.L_overlay_start_0:
0x88: {  	s2 =	sld [smem:$0x3FD9]  }
0x89: {  	s3 =	sld [smem:$0x3FFE];
	_ =	sdelay $0x1  }
0x8a: {  	s1 =	srdreg.scid  }
0x8b: {  	s0 =	sand.u32 $0x1, s1  }
0x8c: {  	s17 =	sshll.u32 s0, $0xA;
	s2 =	sadd.s32 s3, s2  }
0x8d: {  	s2 =	sadd.s32 s2, s17  }
0x8e: {  	[smem:$0x3FBE] =	sst s2  }
0x8f: {  	_ = 	snop  }
0x90: {  	s2 =	sld [smem:$0x3FD0];
	(tm) =	ssettm $0x1  }
0x91: {  	s18 =	sld [smem:$0x3FFB];
	_ =	sdelay $0x3  }
0x92: {  	_ =	strace s18  }
0x93: {  	s3 =	sld [smem:$0x3FFC];
	_ =	sdelay $0x3  }
0x94: {  	_ =	strace s3  }
0x95: {  	s3 =	sld [smem:$0x3FFD];
	_ =	sdelay $0x3  }
0x96: {  	_ =	strace s3  }
0x97: {  	_ =	strace $0x8FFFFFFF  }
0x98: {  	s19 =	sld [smem:$0x3FDB];
	_ =	sdelay $0x1  }
0x99: {  	s4 =	simm.s32 $_scs_section_size  }
0x9a: {  	s5 =	simm.s32 $_size__tile_overlayer_lowered;
	s6 =	simm.s32 $_tile_overlayer_lowered  }
0x9b: {  	s22 =	simm.s32 $0x1BFF;
	s21 =	sshll.u32 s6, $0x1;
	s3 =	sadd.s32 s4, s19  }
0x9c: {  	s7 =	simm.s32 $0x0;
	s20 =	sshll.u32 s5, $0x1;
	s5 =	sadd.s32 s21, s3  }
0x9d: {  	[timem:s7], [sflag:s22] =	dma.local [hbm:s5], s20  }
0x9e: {  	_ =	swait.ge [sflag:s22], s20  }
0x9f: {  	s4 =	ssub.s32 $0x0, s20;
	[sflag:s22] =	ssyncset.done $0x0  }
0xa0: {  	[sflag:s22] =	ssyncadd.s32 s4;
	_ =	sdelay $0x1  }
0xa1: {  	s23 =	simm.s32 $0x1B8B  }
0xa2: {  	_ =	swait.ge [sflag:s23], $0x1  }
0xa3: {  	[sflag:s23] =	ssyncset.done $0x0  }
0xa4: {  	s25 =	simm.s32 $0x1B8E;
	s24 =	sld [smem:$0x3FFE];
	[sflag:s23] =	ssyncadd.s32 $0xFFFFFFFF  }
0xa5: {  	s26 =	simm.s32 $execute0_lowered;
	[smem:$0x3FD2] =	sst s25  }
0xa6: {  	s5 =	sshll.u32 s26, $0x1;
	_ =	strace $0x8000004C;
	[dreg:$0x1] =	wrdreg $0xFFFFFFFF  }
0xa7: {  	s28 =	simm.s32 $_size_execute0_lowered;
	s3 =	sadd.s32 s3, s5;
	[dreg:$0x0] =	wrdreg $0x0  }
0xa8: {  	s5 =	sshll.u32 s28, $0x1;
	[dreg:$0x2] =	wrdreg s3  }
0xa9: {  	[dreg:$0x3] =	wrdreg s5  }
0xaa: {  	[dreg:$0x4] =	wrdreg $0xC0  }
0xab: {  	_ =	task [dreg:s7], $0x5FFFF  }
0xac: {  	[dreg:$0x1] =	wrdreg $0xFFFFFFFF  }
0xad: {  	[dreg:$0x0] =	wrdreg $0x60  }
0xae: {  	[dreg:$0x2] =	wrdreg s24  }
0xaf: {  	[dreg:$0x3] =	wrdreg s2  }
0xb0: {  	[dreg:$0x4] =	wrdreg $0xA8000  }
0xb1: {  	[dreg:$0x5] =	wrdreg $0x9  }
0xb2: {  	_ =	task.clear_ibuf [dreg:s7], $0x6FFFF;
	_ =	strace $0x9000004C  }
0xb3: {  	s29 =	simm.s32 $0x9;
	_ =	strace $0x8000004E  }
0xb4: {  	_ =	swait.ge [sflag:s29], $0x1  }
0xb5: {  	[sflag:s29] =	ssyncadd.s32 $0xFFFFFFFF  }
0xb6: {  	_ =	strace $0x9000004E  }
0xb7: {  	_ =	sfence  }
0xb8: {  	s30 =	sld [smem:$0x0];
	_ =	sdelay $0x2  }
0xb9: {  	s31 =	sshll.u32 s1, $0xD;
	s1 =	sshrl.u32 s1, $0x2  }
0xba: {  	s3 =	sand.u32 $0x4000, s31;
	s1 =	sadd.s32 s1, s30  }
0xbb: {  	s0 =	sor.u32 s3, s0;
	s1 =	sshll.u32 s1, $0x11  }
0xbc: {  	s0 =	sor.u32 s1, s0  }
0xbd: {  	s0 =	sadd.s32 $0x8F2B, s0  }
0xbe: {  	[sflag:s0] =	ssyncadd.remote.s32 $0x1  }
0xbf: {  	_ =	sfence.sel $0xFFFF  }
0xc0: {  	[dreg:$0x0] =	wrdreg $0xFFFFFFFF;
	(pc) =	sbr.abs _section_cstart, $3  }
0xc1: {  	[dreg:$0x1] =	wrdreg $0xFFFFFFFF  }
0xc2: {  	_ =	task.clear_ibuf [dreg:s7], $0x2FFFF;
	_ =	strace $0x9FFFFFFF  }
0xc3: {  	(tm) =	ssettm $0x7FFFFFFF  }
tec
execute0_lowered:
.L_overlay_start_1:
0x0: {  	(tag) =	ssettag $0x1  }
0x1: {  	s5 =	rddreg [dreg:$0x0]  }
0x2: {  	s11 =	rddreg [dreg:$0x1]  }
0x3: {  	s2 =	rddreg [dreg:$0x2]  }
0x4: {  	s0 =	rddreg [dreg:$0x3];
	s4 =	srdreg.scid  }
0x5: {  	s1 =	stileid.u32;
	s3 =	simm.s32 $0x0;
	s15 =	simm.s32 $0x1400  }
0x6: {  	s16 =	simm.s32 $0x80;
	s17 =	simm.s32 $0x2800;
	s18 =	simm.s32 $0x6800  }
0x7: {  	s19 =	simm.s32 $0x1;
	s20 =	simm.s32 $0x2;
	s21 =	simm.s32 $0x1380  }
0x8: {  	s22 =	simm.s32 $0x2700;
	s23 =	simm.s32 $0x2780;
	s24 =	simm.s32 $0x0  }
0x9: {  	s6 =	sand.u32 $0x1, s4;
	s7 =	smul.u32 $0x2800, s1;
	[smem:$0x7FF] =	sst s3  }
0xa: {  	s4 =	sadd.s32 $0xCE00, s5;
	s12 =	sadd.s32 $0x2E00, s5;
	s10 =	smul.u32 $0x50000, s1  }
0xb: {  	s13 =	sshll.u32 s1, $0x1;
	s30 =	sshll.u32 s1, $0x6;
	s8 =	smul.u32 $0x28000, s6  }
0xc: {  	_ =	strace $0x8000004D;
	s9 =	ssub.s32 $0x2, s6;
	s26 =	sor.u32 s6, s13  }
0xd: {  	s6 =	sor.u32 $0x1C03, s30;
	s25 =	sshrl.u32 s9, $0x1;
	s28 =	sshrl.u32 s10, $0x2  }
0xe: {  	s31 =	smul.u32 $0x500, s26;
	s8 =	sadd.s32 s7, s8;
	s9 =	ssub.s32 s9, s25  }
0xf: {  	s29 =	sadd.s32 s28, s2;
	s8 =	sadd.s32 s8, s5;
	s5 =	sadd.s32 s4, s7  }
0x10: {  	s14 =	sadd.s32 $0x280, s31;
	s10 =	sadd.s32 s12, s31;
	s13 =	sshrl.u32 s29, $0x3  }
0x11: {  	s7 =	sadd.s32 $0x34E00, s8;
	s8 =	smax.u32 s9, $0x1;
	s9 =	sadd.s32 s11, s31  }
0x12: {  	s11 =	sadd.s32 s11, s14;
	s12 =	sadd.s32 s12, s14;
	s14 =	simm.s32 $0x3  }
.LBB2_1:
0x13: {  	[spmem:s13], [sflag:s6] =	dma.local [hbm:s5], $0x2800  }
0x14: {  	_ =	swait.ge [sflag:s14], $0x2800  }
0x15: {  	[sflag:s14] =	ssyncset.done $0x0  }
0x16: {  	[sflag:s14] =	ssyncadd.s32 $0xFFFFD800  }
0x17: {  	[bflag:$0x0] =	sbarrier.arrive $0xFFFF  }
0x18: {  	[tilespmem:s3], [sflag:$0x3] =	stream.linear.gather [hbm4b:s9+s3], $0x1400, $0x38;
	[tilespmem:$0x1E800] =	vst v63  }
0x19: {  	_ =	swait.ge [sflag:s14], $0x1400  }
0x1a: {  	[sflag:s14] =	ssyncset.done $0x0  }
0x1b: {  	[sflag:s14] =	ssyncadd.s32 $0xFFFFEC00  }
0x1c: {  	[tilespmem:s15], [sflag:$0x3] =	stream.linear.gather [hbm4b:s10+s3], $0x1400, $0x38;
	[tilespmem:$0x1E800] =	vst v63  }
0x1d: {  	_ =	swait.ge [sflag:s14], $0x1400  }
0x1e: {  	[sflag:s14] =	ssyncset.done $0x0  }
0x1f: {  	[sflag:s14] =	ssyncadd.s32 $0xFFFFEC00  }
0x20: {  	[tilespmem:s17], [sflag:$0x1] =	stream.indirect.gather [hbm4b:s4+s16], $0x80, s3, s16, $0xb8;
	[tilespmem:$0x1E800] =	vst v63  }
0x21: {  	s25 =	simm.s32 $0x80  }
0x22: {  	[tilespmem:s18], [sflag:$0x2] =	stream.indirect.gather [hbm4b:s4+s16], $0x80, s25, s16, $0xb8;
	[tilespmem:$0x1E800] =	vst v63  }
0x23: {  	_ =	swait.ge [sflag:s19], $0x4000  }
0x24: {  	[sflag:s19] =	ssyncset.done $0x0  }
0x25: {  	s29 =	simm.s32 $0x1400;
	[sflag:s19] =	ssyncadd.s32 $0xFFFFC000  }
0x26: {  	[spmem:s2] =	stream.indirect.scatter.add.f32 [tilespmem:s17], [sflag:$0x3], $0x80, s29, s16, $0xb8;
	[tilespmem:$0x1E800] =	vst v63  }
0x27: {  	_ =	swait.ge [sflag:s14], $0x4000  }
0x28: {  	[sflag:s14] =	ssyncset.done $0x0  }
0x29: {  	s30 =	simm.s32 $0x100;
	[sflag:s14] =	ssyncadd.s32 $0xFFFFC000  }
0x2a: {  	[tilespmem:s17], [sflag:$0x1] =	stream.indirect.gather [hbm4b:s4+s16], $0x80, s30, s16, $0xb8;
	[tilespmem:$0x1E800] =	vst v63  }
0x2b: {  	_ =	swait.ge [sflag:s20], $0x4000  }
0x2c: {  	[sflag:s20] =	ssyncset.done $0x0  }
0x2d: {  	s31 =	simm.s32 $0x1480;
	[sflag:s20] =	ssyncadd.s32 $0xFFFFC000  }
0x2e: {  	[spmem:s2] =	stream.indirect.scatter.add.f32 [tilespmem:s18], [sflag:$0x3], $0x80, s31, s16, $0xb8;
	[tilespmem:$0x1E800] =	vst v63  }
0x2f: {  	_ =	swait.ge [sflag:s14], $0x4000  }
0x30: {  	s26 =	simm.s32 $0x800;
	s25 =	simm.s32 $0x100;
	[sflag:s14] =	ssyncset.done $0x0  }
.LBB2_2:
0x31: {  	s28 =	sadd.s32 $0x80, s25  }
0x32: {  	[sflag:s14] =	ssyncadd.s32 $0xFFFFC000;
	s29 =	smov.u32 s26;
	s30 =	sadd.s32 $0x400, s26  }
0x33: {  	[tilespmem:s18], [sflag:$0x2] =	stream.indirect.gather [hbm4b:s4+s16], $0x80, s28, s16, $0xb8;
	[tilespmem:$0x1E800] =	vst v63  }
0x34: {  	p0 =	sne.s32 s26, $0x4800;
	_ =	swait.ge [sflag:s19], $0x4000  }
0x35: {  	[sflag:s19] =	ssyncset.done $0x0  }
0x36: {  	s26 =	sadd.s32 $0x1400, s25;
	[sflag:s19] =	ssyncadd.s32 $0xFFFFC000  }
0x37: {  	[spmem:s2] =	stream.indirect.scatter.add.f32 [tilespmem:s17], [sflag:$0x3], $0x80, s26, s16, $0xb8;
	[tilespmem:$0x1E800] =	vst v63  }
0x38: {  	_ =	swait.ge [sflag:s14], $0x4000  }
0x39: {  	[sflag:s14] =	ssyncset.done $0x0  }
0x3a: {  	s26 =	sadd.s32 $0x100, s25;
	[sflag:s14] =	ssyncadd.s32 $0xFFFFC000  }
0x3b: {  	[tilespmem:s17], [sflag:$0x1] =	stream.indirect.gather [hbm4b:s4+s16], $0x80, s26, s16, $0xb8;
	[tilespmem:$0x1E800] =	vst v63  }
0x3c: {  	_ =	swait.ge [sflag:s20], $0x4000  }
.Ltmp0:
0x3d: {  	[sflag:s20] =	ssyncset.done $0x0;
	(pc) =	sbr.rel @p0 .LBB2_2-.Ltmp0, $4  }
0x3e: {  	s25 =	sadd.s32 $0x1480, s25;
	[sflag:s20] =	ssyncadd.s32 $0xFFFFC000  }
0x3f: {  	[spmem:s2] =	stream.indirect.scatter.add.f32 [tilespmem:s18], [sflag:$0x3], $0x80, s25, s16, $0xb8;
	[tilespmem:$0x1E800] =	vst v63  }
0x40: {  	_ =	swait.ge [sflag:s14], $0x4000  }
0x41: {  	s26 =	smov.u32 s30;
	s25 =	sshra.s32 s29, $0x2;
	[sflag:s14] =	ssyncset.done $0x0  }
0x42: {  	s26 =	sadd.s32 $0x80, s25;
	[sflag:s14] =	ssyncadd.s32 $0xFFFFC000  }
0x43: {  	[tilespmem:s18], [sflag:$0x2] =	stream.indirect.gather [hbm4b:s4+s16], $0x80, s26, s16, $0xb8;
	[tilespmem:$0x1E800] =	vst v63  }
0x44: {  	_ =	swait.ge [sflag:s19], $0x4000  }
0x45: {  	[sflag:s19] =	ssyncset.done $0x0  }
0x46: {  	s29 =	sadd.s32 $0x1400, s25;
	[sflag:s19] =	ssyncadd.s32 $0xFFFFC000  }
0x47: {  	[spmem:s2] =	stream.indirect.scatter.add.f32 [tilespmem:s17], [sflag:$0x3], $0x80, s29, s16, $0xb8;
	[tilespmem:$0x1E800] =	vst v63  }
0x48: {  	_ =	swait.ge [sflag:s14], $0x4000  }
0x49: {  	[sflag:s14] =	ssyncset.done $0x0  }
0x4a: {  	s30 =	sadd.s32 $0x100, s25;
	[sflag:s14] =	ssyncadd.s32 $0xFFFFC000  }
0x4b: {  	[tilespmem:s17], [sflag:$0x1] =	stream.indirect.gather [hbm4b:s4+s16], $0x80, s30, s16, $0xb8;
	[tilespmem:$0x1E800] =	vst v63  }
0x4c: {  	_ =	swait.ge [sflag:s20], $0x4000  }
0x4d: {  	[sflag:s20] =	ssyncset.done $0x0  }
0x4e: {  	s31 =	sadd.s32 $0x1480, s25;
	[sflag:s20] =	ssyncadd.s32 $0xFFFFC000  }
0x4f: {  	[spmem:s2] =	stream.indirect.scatter.add.f32 [tilespmem:s18], [sflag:$0x3], $0x80, s31, s16, $0xb8;
	[tilespmem:$0x1E800] =	vst v63  }
0x50: {  	_ =	swait.ge [sflag:s14], $0x4000  }
0x51: {  	[sflag:s14] =	ssyncset.done $0x0  }
0x52: {  	[sflag:s14] =	ssyncadd.s32 $0xFFFFC000  }
0x53: {  	[tilespmem:s18], [sflag:$0x2] =	stream.indirect.gather [hbm4b:s4+s16], $0x80, s21, s16, $0xb8;
	[tilespmem:$0x1E800] =	vst v63  }
0x54: {  	_ =	swait.ge [sflag:s19], $0x4000  }
0x55: {  	[sflag:s19] =	ssyncset.done $0x0  }
0x56: {  	[sflag:s19] =	ssyncadd.s32 $0xFFFFC000  }
0x57: {  	[spmem:s2] =	stream.indirect.scatter.add.f32 [tilespmem:s17], [sflag:$0x3], $0x80, s22, s16, $0xb8;
	[tilespmem:$0x1E800] =	vst v63  }
0x58: {  	_ =	swait.ge [sflag:s14], $0x4000  }
0x59: {  	[sflag:s14] =	ssyncset.done $0x0  }
0x5a: {  	[sflag:s14] =	ssyncadd.s32 $0xFFFFC000  }
0x5b: {  	_ =	swait.ge [sflag:s20], $0x4000  }
0x5c: {  	[sflag:s20] =	ssyncset.done $0x0  }
0x5d: {  	[sflag:s20] =	ssyncadd.s32 $0xFFFFC000  }
0x5e: {  	[spmem:s2] =	stream.indirect.scatter.add.f32 [tilespmem:s18], [sflag:$0x3], $0x80, s23, s16, $0xb8;
	[tilespmem:$0x1E800] =	vst v63  }
0x5f: {  	_ =	swait.ge [sflag:s14], $0x4000  }
0x60: {  	[sflag:s14] =	ssyncset.done $0x0  }
0x61: {  	s26 =	simm.s32 $0x0;
	[sflag:s14] =	ssyncadd.s32 $0xFFFFC000  }
0x62: {  	[tilespmem:s26], [sflag:$0x3] =	stream.linear.gather [hbm4b:s11+s26], $0x1400, $0x38;
	[tilespmem:$0x1E800] =	vst v63  }
0x63: {  	_ =	swait.ge [sflag:s14], $0x1400  }
0x64: {  	[sflag:s14] =	ssyncset.done $0x0  }
0x65: {  	[sflag:s14] =	ssyncadd.s32 $0xFFFFEC00  }
0x66: {  	[tilespmem:s15], [sflag:$0x3] =	stream.linear.gather [hbm4b:s12+s26], $0x1400, $0x38;
	[tilespmem:$0x1E800] =	vst v63  }
0x67: {  	_ =	swait.ge [sflag:s14], $0x1400  }
0x68: {  	[sflag:s14] =	ssyncset.done $0x0  }
0x69: {  	[sflag:s14] =	ssyncadd.s32 $0xFFFFEC00  }
0x6a: {  	[tilespmem:s17], [sflag:$0x1] =	stream.indirect.gather [hbm4b:s4+s16], $0x80, s26, s16, $0xb8;
	[tilespmem:$0x1E800] =	vst v63  }
0x6b: {  	s28 =	simm.s32 $0x80  }
0x6c: {  	[tilespmem:s18], [sflag:$0x2] =	stream.indirect.gather [hbm4b:s4+s16], $0x80, s28, s16, $0xb8;
	[tilespmem:$0x1E800] =	vst v63  }
0x6d: {  	_ =	swait.ge [sflag:s19], $0x4000  }
0x6e: {  	[sflag:s19] =	ssyncset.done $0x0  }
0x6f: {  	s29 =	simm.s32 $0x1400;
	[sflag:s19] =	ssyncadd.s32 $0xFFFFC000  }
0x70: {  	[spmem:s2] =	stream.indirect.scatter.add.f32 [tilespmem:s17], [sflag:$0x3], $0x80, s29, s16, $0xb8;
	[tilespmem:$0x1E800] =	vst v63  }
0x71: {  	_ =	swait.ge [sflag:s14], $0x4000  }
0x72: {  	[sflag:s14] =	ssyncset.done $0x0  }
0x73: {  	s30 =	simm.s32 $0x100;
	[sflag:s14] =	ssyncadd.s32 $0xFFFFC000  }
0x74: {  	[tilespmem:s17], [sflag:$0x1] =	stream.indirect.gather [hbm4b:s4+s16], $0x80, s30, s16, $0xb8;
	[tilespmem:$0x1E800] =	vst v63  }
0x75: {  	_ =	swait.ge [sflag:s20], $0x4000  }
0x76: {  	[sflag:s20] =	ssyncset.done $0x0  }
0x77: {  	s31 =	simm.s32 $0x1480;
	[sflag:s20] =	ssyncadd.s32 $0xFFFFC000  }
0x78: {  	[spmem:s2] =	stream.indirect.scatter.add.f32 [tilespmem:s18], [sflag:$0x3], $0x80, s31, s16, $0xb8;
	[tilespmem:$0x1E800] =	vst v63  }
0x79: {  	_ =	swait.ge [sflag:s14], $0x4000  }
0x7a: {  	s25 =	simm.s32 $0x100;
	s26 =	simm.s32 $0x800;
	[sflag:s14] =	ssyncset.done $0x0  }
.LBB2_4:
0x7b: {  	s28 =	sadd.s32 $0x80, s25  }
0x7c: {  	[sflag:s14] =	ssyncadd.s32 $0xFFFFC000;
	s29 =	smov.u32 s26;
	s30 =	sadd.s32 $0x400, s26  }
0x7d: {  	[tilespmem:s18], [sflag:$0x2] =	stream.indirect.gather [hbm4b:s4+s16], $0x80, s28, s16, $0xb8;
	[tilespmem:$0x1E800] =	vst v63  }
0x7e: {  	p0 =	sne.s32 s26, $0x4800;
	_ =	swait.ge [sflag:s19], $0x4000  }
0x7f: {  	[sflag:s19] =	ssyncset.done $0x0  }
0x80: {  	s26 =	sadd.s32 $0x1400, s25;
	[sflag:s19] =	ssyncadd.s32 $0xFFFFC000  }
0x81: {  	[spmem:s2] =	stream.indirect.scatter.add.f32 [tilespmem:s17], [sflag:$0x3], $0x80, s26, s16, $0xb8;
	[tilespmem:$0x1E800] =	vst v63  }
0x82: {  	_ =	swait.ge [sflag:s14], $0x4000  }
0x83: {  	[sflag:s14] =	ssyncset.done $0x0  }
0x84: {  	s26 =	sadd.s32 $0x100, s25;
	[sflag:s14] =	ssyncadd.s32 $0xFFFFC000  }
0x85: {  	[tilespmem:s17], [sflag:$0x1] =	stream.indirect.gather [hbm4b:s4+s16], $0x80, s26, s16, $0xb8;
	[tilespmem:$0x1E800] =	vst v63  }
0x86: {  	_ =	swait.ge [sflag:s20], $0x4000  }
.Ltmp1:
0x87: {  	[sflag:s20] =	ssyncset.done $0x0;
	(pc) =	sbr.rel @p0 .LBB2_4-.Ltmp1, $4  }
0x88: {  	s25 =	sadd.s32 $0x1480, s25;
	[sflag:s20] =	ssyncadd.s32 $0xFFFFC000  }
0x89: {  	[spmem:s2] =	stream.indirect.scatter.add.f32 [tilespmem:s18], [sflag:$0x3], $0x80, s25, s16, $0xb8;
	[tilespmem:$0x1E800] =	vst v63  }
0x8a: {  	_ =	swait.ge [sflag:s14], $0x4000  }
0x8b: {  	s26 =	smov.u32 s30;
	s25 =	sshra.s32 s29, $0x2;
	[sflag:s14] =	ssyncset.done $0x0  }
0x8c: {  	s26 =	sadd.s32 $0x80, s25;
	[sflag:s14] =	ssyncadd.s32 $0xFFFFC000  }
0x8d: {  	[tilespmem:s18], [sflag:$0x2] =	stream.indirect.gather [hbm4b:s4+s16], $0x80, s26, s16, $0xb8;
	[tilespmem:$0x1E800] =	vst v63  }
0x8e: {  	_ =	swait.ge [sflag:s19], $0x4000  }
0x8f: {  	[sflag:s19] =	ssyncset.done $0x0  }
0x90: {  	s29 =	sadd.s32 $0x1400, s25;
	[sflag:s19] =	ssyncadd.s32 $0xFFFFC000  }
0x91: {  	[spmem:s2] =	stream.indirect.scatter.add.f32 [tilespmem:s17], [sflag:$0x3], $0x80, s29, s16, $0xb8;
	[tilespmem:$0x1E800] =	vst v63  }
0x92: {  	_ =	swait.ge [sflag:s14], $0x4000  }
0x93: {  	[sflag:s14] =	ssyncset.done $0x0  }
0x94: {  	s30 =	sadd.s32 $0x100, s25;
	[sflag:s14] =	ssyncadd.s32 $0xFFFFC000  }
0x95: {  	[tilespmem:s17], [sflag:$0x1] =	stream.indirect.gather [hbm4b:s4+s16], $0x80, s30, s16, $0xb8;
	[tilespmem:$0x1E800] =	vst v63  }
0x96: {  	_ =	swait.ge [sflag:s20], $0x4000  }
0x97: {  	[sflag:s20] =	ssyncset.done $0x0  }
0x98: {  	s31 =	sadd.s32 $0x1480, s25;
	[sflag:s20] =	ssyncadd.s32 $0xFFFFC000  }
0x99: {  	[spmem:s2] =	stream.indirect.scatter.add.f32 [tilespmem:s18], [sflag:$0x3], $0x80, s31, s16, $0xb8;
	[tilespmem:$0x1E800] =	vst v63  }
0x9a: {  	_ =	swait.ge [sflag:s14], $0x4000  }
0x9b: {  	[sflag:s14] =	ssyncset.done $0x0  }
0x9c: {  	[sflag:s14] =	ssyncadd.s32 $0xFFFFC000  }
0x9d: {  	[tilespmem:s18], [sflag:$0x2] =	stream.indirect.gather [hbm4b:s4+s16], $0x80, s21, s16, $0xb8;
	[tilespmem:$0x1E800] =	vst v63  }
0x9e: {  	_ =	swait.ge [sflag:s19], $0x4000  }
0x9f: {  	[sflag:s19] =	ssyncset.done $0x0  }
0xa0: {  	[sflag:s19] =	ssyncadd.s32 $0xFFFFC000  }
0xa1: {  	[spmem:s2] =	stream.indirect.scatter.add.f32 [tilespmem:s17], [sflag:$0x3], $0x80, s22, s16, $0xb8;
	[tilespmem:$0x1E800] =	vst v63  }
0xa2: {  	_ =	swait.ge [sflag:s14], $0x4000  }
0xa3: {  	[sflag:s14] =	ssyncset.done $0x0  }
0xa4: {  	[sflag:s14] =	ssyncadd.s32 $0xFFFFC000  }
0xa5: {  	_ =	swait.ge [sflag:s20], $0x4000  }
0xa6: {  	[sflag:s20] =	ssyncset.done $0x0  }
0xa7: {  	[sflag:s20] =	ssyncadd.s32 $0xFFFFC000  }
0xa8: {  	[spmem:s2] =	stream.indirect.scatter.add.f32 [tilespmem:s18], [sflag:$0x3], $0x80, s23, s16, $0xb8;
	[tilespmem:$0x1E800] =	vst v63  }
0xa9: {  	_ =	swait.ge [sflag:s14], $0x4000  }
0xaa: {  	s24 =	sadd.s32 $0x1, s24;
	[sflag:s14] =	ssyncset.done $0x0  }
0xab: {  	p0 =	sne.s32 s24, s8;
	[sflag:s14] =	ssyncadd.s32 $0xFFFFC000  }
.Ltmp2:
0xac: {  	[bflag:$0x0] =	sbarrier.arrive $0xFFFF;
	(pc) =	sbr.rel @p0 .LBB2_1-.Ltmp2, $4  }
0xad: {  	[hbm:s7], [sflag:s6] =	dma.local [spmem:s13], $0x2800  }
0xae: {  	_ =	swait.ge [sflag:s14], $0x2800  }
0xaf: {  	[sflag:s14] =	ssyncset.done $0x0  }
0xb0: {  	[sflag:s14] =	ssyncadd.s32 $0xFFFFD800  }
0xb1: {  	_ =	sfence.sel $0x180000  }
0xb2: {  	[bflag:$0x0] =	sbarrier.arrive $0xFFFF  }
0xb3: {  	p0 =	sne.s32 s1, $0x0;
	_ =	strace $0x9000004D  }
0xb4: {  	s0 =	sadd.s32 @!p0 $0x100000, s0;
	[bflag:$0x2] =	sbarrier.arrive $0xFFFF  }
0xb5: {  	[sflag:s0] =	ssyncadd.tile.s32 @!p0 $0x1;
	_ =	shalt  }
.Lfunc_end2:
_tile_overlayer_lowered:
.L_overlay_start_2:
0xb6: {  	(tag) =	ssettag $0x2  }
0xb7: {  	s0 =	rddreg [dreg:$0x0];
	s2 =	stileid.u32  }
0xb8: {  	s1 =	rddreg [dreg:$0x1];
	p0 =	sne.s32 s2, $0x0  }
0xb9: {  	s3 =	rddreg [dreg:$0x2];
	[bflag:$0x3] =	sbarrier.arrive $0xFFFF;
	s2 =	simm.s32 @!p0 $0x1C03  }
0xba: {  	[timem:s3], [sflag:s2] =	dma.local @!p0 [hbm:s0], s1  }
0xbb: {  	s0 =	simm.s32 @!p0 $0x3  }
0xbc: {  	_ =	swait.ge @!p0 [sflag:s0], s1  }
0xbd: {  	s1 =	ssub.s32 @!p0 $0x0, s1;
	[sflag:s0] =	ssyncset.done @!p0 $0x0  }
0xbe: {  	[sflag:s0] =	ssyncadd.s32 @!p0 s1  }
0xbf: {  	[bflag:$0x3] =	sbarrier.arrive $0xFFFF  }
0xc0: {  	_ =	shalt  }

// kernel: kernel.8.cloned.1.call-start
scs
__scs_entry_jumppad:
0x0: {  	(pc) =	sbr.rel $0x88, $3  }
0x1: {  	(tag) =	ssettag $0x0;
	lr =	simm.s32 $0x1  }
0x2: {  	[smem:$0x3F97] =	sst lr;
	_ =	strace $0xD0000000  }
0x3: {  	_ = 	snop  }
0x4: {  	_ = 	snop  }
0x5: {  	_ = 	snop  }
0x6: {  	_ = 	snop  }
0x7: {  	_ = 	snop  }
__scs_overlays_trampoline_lowered:
0x8: {  	[smem:$0x3FA6] =	sst s0  }
0x9: {  	[smem:$0x3FA7] =	sst s1  }
0xa: {  	[smem:$0x3FA8] =	sst s2  }
0xb: {  	[smem:$0x3FA9] =	sst s3  }
0xc: {  	[smem:$0x3FAA] =	sst s4  }
0xd: {  	[smem:$0x3FAB] =	sst s5  }
0xe: {  	[smem:$0x3FAC] =	sst s6  }
0xf: {  	[smem:$0x3FAD] =	sst s7  }
0x10: {  	[smem:$0x3FAE] =	sst s8  }
0x11: {  	[smem:$0x3FAF] =	sst s9;
	s0 =	simm.s32 @!p0 $0x0  }
0x12: {  	s1 =	sld [smem:$0x3F95];
	s0 =	simm.s32 @p0 $0x1  }
0x13: {  	[smem:$0x3FB0] =	sst s0;
	s0 =	simm.s32 @!p1 $0x0  }
0x14: {  	s2 =	sld [smem:$0x3F94];
	s0 =	simm.s32 @p1 $0x1  }
0x15: {  	[smem:$0x3FB1] =	sst s0;
	s0 =	simm.s32 @!p2 $0x0  }
0x16: {  	s3 =	sld [smem:$0x3FDB];
	s0 =	simm.s32 @p2 $0x1  }
0x17: {  	s4 =	simm.s32 $0x1BF5;
	[smem:$0x3FB3] =	sst s0  }
0x18: {  	s0 =	sld [smem:$0x3F96];
	_ =	swait.ge [sflag:s4], $0x0  }
0x19: {  	s7 =	sld [smem:$0x3F97]  }
0x1a: {  	s8 =	sadd.s32 $0xFFFFE003, lr  }
0x1b: {  	s9 =	sadd.s32 $0xFFFFFEF7, lr;
	s5 =	simm.s32 $0xFFFFFFFF;
	p2 =	slt.u32 s8, $0xFFFFF086  }
0x1c: {  	p1 =	slt.u32 s9, $0xF7A;
	s5 =	simm.s32 @!p2 $0x0  }
0x1d: {  	s5 =	simm.s32 @p1 $0x1;
	p0 =	seq.s32 s7, s2  }
0x1e: {  	s7 =	smul.u32 @!p0 $0xF7A, s2;
	p2 =	seq.s32 @!p0 s5, $0x0  }
0x1f: {  	s9 =	smul.u32 $0xF7A, s1;
	s8 =	simm.s32 @!p0 $0x1BF5;
	p2 =	por !p2, p0  }
0x20: {  	[sflag:s8] =	ssyncset.s32 @!p0 $0xFFFFF086;
	s6 =	sadd.s32 @!p0 s3, s7;
	s7 =	simm.s32 @!p0 $0x108  }
0x21: {  	s3 =	sadd.s32 s3, s9;
	s6 =	sadd.s32 @!p0 $0x88, s6;
	s7 =	simm.s32 @p2 $0x1082  }
0x22: {  	[simem:s7], [sflag:s8] =	dma.local @!p0 [hbm:s6], $0xF7A  }
0x23: {  	s9 =	sor.u32 $0xD0000000, s2;
	s6 =	simm.s32 $0x108;
	_ =	swait.ge @!p0 [sflag:s8], $0x0  }
0x24: {  	s3 =	sadd.s32 $0x88, s3;
	s6 =	simm.s32 @!p1 $0x1082;
	[sflag:s4] =	ssyncset.s32 $0xFFFFF086  }
0x25: {  	[simem:s6], [sflag:s4] =	dma.local [hbm:s3], $0xF7A  }
0x26: {  	[smem:$0x3F97] =	sst s1;
	(tag) =	ssettag s2;
	_ =	strace s9  }
0x27: {  	s1 =	sld [smem:$0x3FA7]  }
0x28: {  	s2 =	sld [smem:$0x3FA8]  }
0x29: {  	s4 =	sld [smem:$0x3FAA]  }
0x2a: {  	p0 =	seq.s32 s5, $0x0;
	s5 =	sld [smem:$0x3FAB]  }
0x2b: {  	s6 =	sld [smem:$0x3FAC]  }
0x2c: {  	s7 =	sld [smem:$0x3FAD]  }
0x2d: {  	s3 =	simm.s32 $0x108;
	s8 =	sld [smem:$0x3FAE]  }
0x2e: {  	s3 =	simm.s32 @!p0 $0x1082;
	s9 =	sld [smem:$0x3FAF]  }
0x2f: {  	lr =	sadd.s32 s0, s3;
	s0 =	sld [smem:$0x3FA6]  }
0x30: {  	s3 =	sld [smem:$0x3FA9]  }
0x31: {  	[smem:$0x3FB2] =	sst s10  }
0x32: {  	s10 =	sld [smem:$0x3FB0];
	_ =	sdelay $0x3  }
0x33: {  	p0 =	seq.s32 s10, $0x1;
	s10 =	sld [smem:$0x3FB2];
	_ =	sdelay $0x3  }
0x34: {  	[smem:$0x3FB2] =	sst s10  }
0x35: {  	s10 =	sld [smem:$0x3FB1];
	_ =	sdelay $0x3  }
0x36: {  	p1 =	seq.s32 s10, $0x1;
	s10 =	sld [smem:$0x3FB2];
	_ =	sdelay $0x3  }
0x37: {  	[smem:$0x3FB2] =	sst s10  }
0x38: {  	s10 =	sld [smem:$0x3FB3]  }
0x39: {  	_ = 	snop;
	(pc) =	sbr.ind lr, $3  }
0x3a: {  	_ = 	snop  }
0x3b: {  	_ = 	snop  }
0x3c: {  	p2 =	seq.s32 s10, $0x1;
	s10 =	sld [smem:$0x3FB2]  }
0x3d: {  	_ =	shalt  }
0x3e: {  	_ =	shalt  }
0x3f: {  	_ =	shalt  }
0x40: {  	_ =	shalt  }
0x41: {  	_ =	shalt  }
0x42: {  	_ =	shalt  }
0x43: {  	_ =	shalt  }
0x44: {  	_ =	shalt  }
0x45: {  	_ =	shalt  }
0x46: {  	_ =	shalt  }
0x47: {  	_ =	shalt  }
0x48: {  	_ =	shalt  }
0x49: {  	_ =	shalt  }
0x4a: {  	_ =	shalt  }
0x4b: {  	_ =	shalt  }
0x4c: {  	_ =	shalt  }
0x4d: {  	_ =	shalt  }
0x4e: {  	_ =	shalt  }
0x4f: {  	_ =	shalt  }
0x50: {  	_ =	shalt  }
0x51: {  	_ =	shalt  }
0x52: {  	_ =	shalt  }
0x53: {  	_ =	shalt  }
0x54: {  	_ =	shalt  }
0x55: {  	_ =	shalt  }
0x56: {  	_ =	shalt  }
0x57: {  	_ =	shalt  }
0x58: {  	_ =	shalt  }
0x59: {  	_ =	shalt  }
0x5a: {  	_ =	shalt  }
0x5b: {  	_ =	shalt  }
0x5c: {  	_ =	shalt  }
0x5d: {  	_ =	shalt  }
0x5e: {  	_ =	shalt  }
0x5f: {  	_ =	shalt  }
0x60: {  	_ =	shalt  }
0x61: {  	_ =	shalt  }
0x62: {  	_ =	shalt  }
0x63: {  	_ =	shalt  }
0x64: {  	_ =	shalt  }
0x65: {  	_ =	shalt  }
0x66: {  	_ =	shalt  }
0x67: {  	_ =	shalt  }
0x68: {  	_ =	shalt  }
0x69: {  	_ =	shalt  }
0x6a: {  	_ =	shalt  }
0x6b: {  	_ =	shalt  }
0x6c: {  	_ =	shalt  }
0x6d: {  	_ =	shalt  }
0x6e: {  	_ =	shalt  }
0x6f: {  	_ =	shalt  }
0x70: {  	_ =	shalt  }
0x71: {  	_ =	shalt  }
0x72: {  	_ =	shalt  }
0x73: {  	_ =	shalt  }
0x74: {  	_ =	shalt  }
0x75: {  	_ =	shalt  }
0x76: {  	_ =	shalt  }
0x77: {  	_ =	shalt  }
0x78: {  	_ =	shalt  }
0x79: {  	_ =	shalt  }
0x7a: {  	_ =	shalt  }
0x7b: {  	_ =	shalt  }
0x7c: {  	_ =	shalt  }
0x7d: {  	_ =	shalt  }
0x7e: {  	_ =	shalt  }
0x7f: {  	_ =	shalt  }
0x80: {  	_ =	shalt  }
0x81: {  	_ =	shalt  }
0x82: {  	_ =	shalt  }
0x83: {  	_ =	shalt  }
0x84: {  	_ =	shalt  }
0x85: {  	_ =	shalt  }
0x86: {  	_ =	shalt  }
0x87: {  	_ =	shalt  }
.Lfunc_end0:
.L_simem_size_0:
called_computation_lowered:
.L_overlay_start_0:
0x88: {  	s2 =	sld [smem:$0x3FD9]  }
0x89: {  	s3 =	sld [smem:$0x3FFE];
	_ =	sdelay $0x1  }
0x8a: {  	s1 =	srdreg.scid  }
0x8b: {  	s0 =	sand.u32 $0x1, s1  }
0x8c: {  	s16 =	sshll.u32 s0, $0xA;
	s2 =	sadd.s32 s3, s2  }
0x8d: {  	s2 =	sadd.s32 s2, s16  }
0x8e: {  	[smem:$0x3FBE] =	sst s2  }
0x8f: {  	_ = 	snop  }
0x90: {  	(tm) =	ssettm $0x1  }
0x91: {  	s17 =	sld [smem:$0x3FFB];
	_ =	sdelay $0x3  }
0x92: {  	_ =	strace s17  }
0x93: {  	s2 =	sld [smem:$0x3FFC];
	_ =	sdelay $0x3  }
0x94: {  	_ =	strace s2  }
0x95: {  	s2 =	sld [smem:$0x3FFD];
	_ =	sdelay $0x3  }
0x96: {  	_ =	strace s2  }
0x97: {  	_ =	strace $0x8FFFFFFF  }
0x98: {  	s18 =	sld [smem:$0x3FDB];
	_ =	sdelay $0x1  }
0x99: {  	s19 =	simm.s32 $_scs_section_size  }
0x9a: {  	s4 =	simm.s32 $_size__tile_overlayer_lowered;
	s5 =	simm.s32 $_tile_overlayer_lowered  }
0x9b: {  	s22 =	simm.s32 $0x1BFF;
	s21 =	sshll.u32 s5, $0x1;
	s2 =	sadd.s32 s19, s18  }
0x9c: {  	s6 =	simm.s32 $0x0;
	s20 =	sshll.u32 s4, $0x1;
	s4 =	sadd.s32 s21, s2  }
0x9d: {  	[timem:s6], [sflag:s22] =	dma.local [hbm:s4], s20  }
0x9e: {  	_ =	swait.ge [sflag:s22], s20  }
0x9f: {  	s3 =	ssub.s32 $0x0, s20;
	[sflag:s22] =	ssyncset.done $0x0  }
0xa0: {  	[sflag:s22] =	ssyncadd.s32 s3;
	_ =	sdelay $0x1  }
0xa1: {  	s23 =	simm.s32 $0x1B8B  }
0xa2: {  	_ =	swait.ge [sflag:s23], $0x1  }
0xa3: {  	[sflag:s23] =	ssyncset.done $0x0  }
0xa4: {  	s25 =	simm.s32 $0x1B8E;
	s24 =	sld [smem:$0x3FFE];
	[sflag:s23] =	ssyncadd.s32 $0xFFFFFFFF  }
0xa5: {  	s26 =	simm.s32 $execute0_lowered;
	[smem:$0x3FD2] =	sst s25  }
0xa6: {  	s4 =	sshll.u32 s26, $0x1;
	_ =	strace $0x80000046;
	[dreg:$0x1] =	wrdreg $0xFFFFFFFF  }
0xa7: {  	s28 =	simm.s32 $_size_execute0_lowered;
	s2 =	sadd.s32 s2, s4;
	[dreg:$0x0] =	wrdreg $0x0  }
0xa8: {  	s4 =	sshll.u32 s28, $0x1;
	[dreg:$0x2] =	wrdreg s2  }
0xa9: {  	[dreg:$0x3] =	wrdreg s4  }
0xaa: {  	[dreg:$0x4] =	wrdreg $0xC0  }
0xab: {  	_ =	task [dreg:s6], $0x5FFFF  }
0xac: {  	[dreg:$0x1] =	wrdreg $0xFFFFFFFF  }
0xad: {  	[dreg:$0x0] =	wrdreg $0x60  }
0xae: {  	[dreg:$0x2] =	wrdreg s24  }
0xaf: {  	[dreg:$0x3] =	wrdreg $0x28800  }
0xb0: {  	[dreg:$0x4] =	wrdreg $0x9  }
0xb1: {  	_ =	task.clear_ibuf [dreg:s6], $0x5FFFF;
	_ =	strace $0x90000046  }
0xb2: {  	s29 =	simm.s32 $0x9;
	_ =	strace $0x80000048  }
0xb3: {  	_ =	swait.ge [sflag:s29], $0x1  }
0xb4: {  	[sflag:s29] =	ssyncadd.s32 $0xFFFFFFFF  }
0xb5: {  	_ =	strace $0x90000048  }
0xb6: {  	_ =	sfence  }
0xb7: {  	s30 =	sld [smem:$0x0];
	_ =	sdelay $0x2  }
0xb8: {  	s31 =	sshll.u32 s1, $0xD;
	s1 =	sshrl.u32 s1, $0x2  }
0xb9: {  	s3 =	sand.u32 $0x4000, s31;
	s1 =	sadd.s32 s1, s30  }
0xba: {  	s0 =	sor.u32 s3, s0;
	s1 =	sshll.u32 s1, $0x11  }
0xbb: {  	s0 =	sor.u32 s1, s0  }
0xbc: {  	s0 =	sadd.s32 $0x8F2B, s0  }
0xbd: {  	[sflag:s0] =	ssyncadd.remote.s32 $0x1  }
0xbe: {  	_ =	sfence.sel $0xFFFF  }
0xbf: {  	[dreg:$0x0] =	wrdreg $0xFFFFFFFF;
	(pc) =	sbr.abs _section_cstart, $3  }
0xc0: {  	[dreg:$0x1] =	wrdreg $0xFFFFFFFF  }
0xc1: {  	_ =	task.clear_ibuf [dreg:s6], $0x2FFFF;
	_ =	strace $0x9FFFFFFF  }
0xc2: {  	(tm) =	ssettm $0x7FFFFFFF  }
0xc3: {  	_ =	shalt  }
tec
execute0_lowered:
.L_overlay_start_1:
0x0: {  	(tag) =	ssettag $0x1  }
0x1: {  	s1 =	srdreg.scid;
	s5 =	rddreg [dreg:$0x0]  }
0x2: {  	s0 =	stileid.u32;
	s2 =	rddreg [dreg:$0x1];
	s3 =	simm.s32 $0x0  }
0x3: {  	s12 =	simm.s32 $0x2800;
	s13 =	simm.s32 $0x0;
	s4 =	sand.u32 $0x1, s1  }
0x4: {  	s30 =	sshll.u32 s0, $0x1;
	s7 =	smul.u32 $0x280, s0;
	[smem:$0x7FF] =	sst s3  }
0x5: {  	s31 =	sshll.u32 s0, $0x6;
	s1 =	sor.u32 s4, s30;
	s8 =	smul.u32 $0x2800, s4  }
0x6: {  	s4 =	ssub.s32 $0x2, s4;
	s6 =	smul.u32 $0x500, s1;
	s1 =	rddreg [dreg:$0x2]  }
0x7: {  	_ =	strace $0x80000047;
	s9 =	sshrl.u32 s7, $0x3;
	s10 =	sshrl.u32 s4, $0x1  }
0x8: {  	s11 =	sadd.s32 s7, s2;
	s8 =	sadd.s32 s7, s8;
	s9 =	sadd.s32 s9, s5  }
0x9: {  	s10 =	ssub.s32 s4, s10;
	s6 =	sadd.s32 s6, s5;
	s8 =	sshrl.u32 s8, $0x3  }
0xa: {  	s4 =	sadd.s32 $0xCE00, s9;
	s9 =	sshrl.u32 s11, $0x3;
	s11 =	simm.s32 $0x80  }
0xb: {  	s8 =	sadd.s32 s8, s5;
	s5 =	sor.u32 $0x1C01, s31;
	s6 =	sadd.s32 $0x2E00, s6  }
0xc: {  	v0 =	vimm.f32 $1.000000000e+00;
	s7 =	sadd.s32 $0xD400, s8;
	s8 =	smax.u32 s10, $0x1;
	s10 =	simm.s32 $0x1  }
.LBB2_1:
0xd: {  	[spmem:s9], [sflag:s5] =	dma.local [hbm:s4], $0x50  }
0xe: {  	_ =	swait.ge [sflag:s10], $0x50  }
0xf: {  	[sflag:s10] =	ssyncset.done $0x0  }
0x10: {  	[sflag:s10] =	ssyncadd.s32 $0xFFFFFFB0  }
0x11: {  	[tilespmem:$0x2800] =	vst v0  }
0x12: {  	[tilespmem:$0x2810] =	vst v0  }
0x13: {  	[tilespmem:$0x2820] =	vst v0  }
0x14: {  	[tilespmem:$0x2830] =	vst v0  }
0x15: {  	[tilespmem:$0x2840] =	vst v0  }
0x16: {  	[tilespmem:$0x2850] =	vst v0  }
0x17: {  	[tilespmem:$0x2860] =	vst v0  }
0x18: {  	[tilespmem:$0x2870] =	vst v0  }
0x19: {  	[tilespmem:s3], [sflag:$0x1] =	stream.linear.gather [hbm4b:s6+s3], $0x2800, $0x38;
	[tilespmem:$0x2B00] =	vst v63  }
0x1a: {  	_ =	swait.ge [sflag:s10], $0x2800  }
0x1b: {  	[sflag:s10] =	ssyncset.done $0x0  }
0x1c: {  	[sflag:s10] =	ssyncadd.s32 $0xFFFFD800  }
0x1d: {  	s14 =	simm.s32 $0x0;
	[bflag:$0x0] =	sbarrier.arrive $0xFFFF  }
0x1e: {  	[spmem:s2] =	stream.indirect.scatter.add.f32 [tilespmem:s12], [sflag:$0x1], $0x1, s14, s11, $0xb8;
	[tilespmem:$0x2B00] =	vst v63  }
0x1f: {  	_ =	swait.ge [sflag:s10], $0x80  }
0x20: {  	s14 =	simm.s32 $0x200;
	[sflag:s10] =	ssyncset.done $0x0  }
.LBB2_2:
0x21: {  	s15 =	sshra.s32 s14, $0x2;
	[sflag:s10] =	ssyncadd.s32 $0xFFFFFF80;
	p0 =	sne.s32 s14, $0x9E00  }
0x22: {  	[spmem:s2] =	stream.indirect.scatter.add.f32 [tilespmem:s12], [sflag:$0x1], $0x1, s15, s11, $0xb8;
	[tilespmem:$0x2B00] =	vst v63  }
.Ltmp0:
0x23: {  	_ = 	snop;
	(pc) =	sbr.rel @p0 .LBB2_2-.Ltmp0, $4  }
0x24: {  	_ = 	snop  }
0x25: {  	s14 =	sadd.s32 $0x200, s14  }
0x26: {  	_ =	swait.ge [sflag:s10], $0x80  }
0x27: {  	[sflag:s10] =	ssyncset.done $0x0  }
0x28: {  	s13 =	sadd.s32 $0x1, s13  }
0x29: {  	[sflag:s10] =	ssyncadd.s32 $0xFFFFFF80;
	p0 =	sne.s32 s13, s8  }
.Ltmp1:
0x2a: {  	[bflag:$0x0] =	sbarrier.arrive $0xFFFF;
	(pc) =	sbr.rel @p0 .LBB2_1-.Ltmp1, $4  }
0x2b: {  	[hbm:s7], [sflag:s5] =	dma.local [spmem:s9], $0x50  }
0x2c: {  	_ =	swait.ge [sflag:s10], $0x50  }
0x2d: {  	[sflag:s10] =	ssyncset.done $0x0  }
0x2e: {  	[sflag:s10] =	ssyncadd.s32 $0xFFFFFFB0  }
0x2f: {  	_ =	sfence.sel $0x180000  }
0x30: {  	[bflag:$0x0] =	sbarrier.arrive $0xFFFF  }
0x31: {  	p0 =	sne.s32 s0, $0x0;
	_ =	strace $0x90000047  }
0x32: {  	s0 =	sadd.s32 @!p0 $0x100000, s1;
	[bflag:$0x2] =	sbarrier.arrive $0xFFFF  }
0x33: {  	[sflag:s0] =	ssyncadd.tile.s32 @!p0 $0x1;
	_ =	shalt  }
.Lfunc_end2:
_tile_overlayer_lowered:
.L_overlay_start_2:
0x34: {  	(tag) =	ssettag $0x2  }
0x35: {  	s0 =	rddreg [dreg:$0x0];
	s2 =	stileid.u32  }
0x36: {  	s1 =	rddreg [dreg:$0x1];
	p0 =	sne.s32 s2, $0x0  }
0x37: {  	s3 =	rddreg [dreg:$0x2];
	[bflag:$0x3] =	sbarrier.arrive $0xFFFF;
	s2 =	simm.s32 @!p0 $0x1C01  }
0x38: {  	[timem:s3], [sflag:s2] =	dma.local @!p0 [hbm:s0], s1  }
0x39: {  	s0 =	simm.s32 @!p0 $0x1  }
0x3a: {  	_ =	swait.ge @!p0 [sflag:s0], s1  }
0x3b: {  	s1 =	ssub.s32 @!p0 $0x0, s1;
	[sflag:s0] =	ssyncset.done @!p0 $0x0  }
0x3c: {  	[sflag:s0] =	ssyncadd.s32 @!p0 s1  }
0x3d: {  	[bflag:$0x3] =	sbarrier.arrive $0xFFFF  }
0x3e: {  	_ =	shalt  }

</sc_bundles>
